<compile_context>
chip_gen: v7x
topology: tpu7x:2x2x1
jax: 0.10.2.dev20260603
libtpu: 0.0.44.dev20260713+nightly
codegen_flags: <defaults>
</compile_context>

<pallas_src>
import functools

import jax
import jax.numpy as jnp
from jax import lax
from jax.experimental import pallas as pl
from jax.experimental.pallas import tpu as pltpu
from jax.experimental.pallas import tpu_sc as plsc

NC = 2
NS = 16
NW = NC * NS
LANES = 16
CHUNK = 128


def _sc_mesh():
    return plsc.VectorSubcoreMesh(core_axis_name="c", subcore_axis_name="s")


def _make_deg_kernel(e, ch_per_w, n_pad):
    epw_pad = ch_per_w * CHUNK

    @functools.partial(
        pl.kernel,
        out_type=jax.ShapeDtypeStruct((NW, n_pad), jnp.float32),
        mesh=_sc_mesh(),
        compiler_params=pltpu.CompilerParams(needs_layout_passes=False),
        scratch_types=[
            pltpu.VMEM((ch_per_w, CHUNK), jnp.int32),
            pltpu.VMEM((n_pad,), jnp.float32),
        ],
    )
    def deg_kernel(edges_hbm, out_hbm, idx_v, deg_v):
        c = lax.axis_index("c")
        s = lax.axis_index("s")
        wid = s * NC + c
        pltpu.sync_copy(edges_hbm.at[0, wid], idx_v)

        zeros16 = jnp.zeros((LANES,), jnp.float32)

        def zero_body(i, carry):
            deg_v[pl.ds(i * LANES, LANES)] = zeros16
            return carry

        lax.fori_loop(0, n_pad // LANES, zero_body, 0, unroll=8)

        ones16 = jnp.ones((LANES,), jnp.float32)
        lane = lax.iota(jnp.int32, LANES)
        base = wid * epw_pad

        def edge_body(p, carry):
            j = p // (CHUNK // LANES)
            l = p % (CHUNK // LANES)
            idx = idx_v[j, pl.ds(l * LANES, LANES)]
            msk = base + p * LANES + lane < e
            plsc.addupdate_scatter(deg_v, [idx], ones16, mask=msk)
            return carry

        lax.fori_loop(0, epw_pad // LANES, edge_body, 0, unroll=8)
        pltpu.sync_copy(deg_v, out_hbm.at[wid])

    return deg_kernel


NBUF = 2
NSEG = 2


def _make_agg_kernel(ch_per_w, n_pad, d):
    assert ch_per_w % (NSEG * NBUF) == 0
    ch_seg = ch_per_w // NSEG

    @functools.partial(
        pl.kernel,
        out_type=jax.ShapeDtypeStruct((NC, n_pad, d), jnp.float32),
        mesh=_sc_mesh(),
        compiler_params=pltpu.CompilerParams(needs_layout_passes=False),
        scratch_types=[
            pltpu.VMEM((ch_seg, CHUNK), jnp.int32),
            pltpu.VMEM((ch_seg, CHUNK), jnp.int32),
            [pltpu.VMEM((CHUNK, d), jnp.float32) for _ in range(NBUF)],
            pltpu.VMEM_SHARED((n_pad, d), jnp.float32),
            [pltpu.SemaphoreType.DMA for _ in range(NBUF)],
            pltpu.SemaphoreType.DMA,
        ],
    )
    def agg_kernel(y_hbm, edges_hbm, zeros_hbm, out_hbm,
                   col_v, row_v, bufs, acc_sh, sems, zsem):
        c = lax.axis_index("c")
        s = lax.axis_index("s")
        wid = s * NC + c
        rows_per_tile = n_pad // NS
        zcp = pltpu.async_copy(
            zeros_hbm.at[pl.ds(s * rows_per_tile, rows_per_tile)],
            acc_sh.at[pl.ds(s * rows_per_tile, rows_per_tile)],
            zsem,
        )
        first = True
        for seg in range(NSEG):
            pltpu.sync_copy(
                edges_hbm.at[1, wid, pl.ds(seg * ch_seg, ch_seg)], col_v)
            pltpu.sync_copy(
                edges_hbm.at[0, wid, pl.ds(seg * ch_seg, ch_seg)], row_v)
            for b in range(NBUF):
                pltpu.async_copy(y_hbm.at[col_v.at[b]], bufs[b], sems[b])
            if first:
                first = False
                zcp.wait()
                plsc.subcore_barrier()

            def group_body(g, carry):
                base = g * NBUF
                for b in range(NBUF):
                    j = base + b
                    pltpu.make_async_copy(
                        y_hbm.at[col_v.at[j]], bufs[b], sems[b]).wait()
                    pltpu.sync_copy(
                        bufs[b], acc_sh.at[row_v.at[j]], add=True)
                    nxt = j + NBUF

                    @pl.when(nxt < ch_seg)
                    def _():
                        pltpu.async_copy(
                            y_hbm.at[col_v.at[nxt]], bufs[b], sems[b])
                return carry

            lax.fori_loop(0, ch_seg // NBUF, group_body, 0)
        plsc.subcore_barrier()
        pltpu.sync_copy(
            acc_sh.at[pl.ds(s * rows_per_tile, rows_per_tile)],
            out_hbm.at[c, pl.ds(s * rows_per_tile, rows_per_tile)],
        )

    return agg_kernel


def _prep_body(degp_ref, x_ref, w_ref, y_ref, dis_ref):
    deg = jnp.sum(degp_ref[...], axis=0)
    dis = jnp.where(deg > 0.0, lax.rsqrt(deg), 0.0)
    dis_ref[...] = dis
    n = x_ref.shape[0]
    n_pad = y_ref.shape[0]
    z = lax.dot_general(
        x_ref[...], w_ref[...],
        (((1,), (1,)), ((), ())),
        preferred_element_type=jnp.float32,
    )
    y_ref[pl.ds(0, n), :] = dis[:n, None] * z
    y_ref[pl.ds(n, n_pad - n), :] = jnp.zeros(
        (n_pad - n, z.shape[1]), jnp.float32)


def _fin_body(s_ref, dis_ref, b_ref, o_ref):
    n = o_ref.shape[0]
    ssum = s_ref[0, pl.ds(0, n), :] + s_ref[1, pl.ds(0, n), :]
    val = dis_ref[...][:n, None] * ssum + b_ref[...]
    o_ref[...] = jnp.maximum(val, 0.0)


def kernel(x, edge_index, W, b):
    n, d_in = x.shape
    d_out = W.shape[0]
    e = edge_index.shape[1]

    ch_per_w = -(-e // (NW * CHUNK))
    ch_per_w = -(-ch_per_w // (NSEG * NBUF)) * (NSEG * NBUF)
    e_pad = NW * ch_per_w * CHUNK
    n_pad = -(-n // (NS * LANES)) * (NS * LANES)

    karr = jnp.arange(e_pad - e, dtype=jnp.int32)
    pad2 = jnp.stack([
        (karr * 37) % n_pad,
        n + (karr * 3) % (n_pad - n),
    ])
    edges4 = jnp.concatenate([edge_index, pad2], axis=1).reshape(
        2, NW, ch_per_w, CHUNK)

    zeros_nd = jnp.zeros((n_pad, d_in), jnp.float32)
    deg_parts = _make_deg_kernel(e, ch_per_w, n_pad)(edges4)

    y, dis = pl.pallas_call(
        _prep_body,
        out_shape=(
            jax.ShapeDtypeStruct((n_pad, d_in), jnp.float32),
            jax.ShapeDtypeStruct((n_pad,), jnp.float32),
        ),
    )(deg_parts, x, W)

    s_parts = _make_agg_kernel(ch_per_w, n_pad, d_in)(
        y, edges4, zeros_nd)

    out = pl.pallas_call(
        _fin_body,
        out_shape=jax.ShapeDtypeStruct((n, d_out), jnp.float32),
    )(s_parts, dis, b.reshape(1, d_out))
    return out

# --- scband reference (transcript-rebuilt; emitter-appended) ---
"""Pipeline reference for scband-gcnlayer-33449205301469 (READ-ONLY COPY).

The authoritative reference and input builder live on the scoring server;
editing this copy changes nothing except your own understanding.
"""

import jax, jax.numpy as jnp
import numpy as np

N = 10000
E = 320000
D_IN = 128
D_OUT = 128


def setup_inputs(seed: int = 0) -> dict:
    key = jax.random.key(seed)
    k1, k2, k3, k4 = jax.random.split(key, 4)
    x = jax.random.normal(k1, (N, D_IN), dtype=jnp.float32)
    edge_index = jax.random.randint(k2, (2, E), 0, N, dtype=jnp.int32)
    W = jax.random.normal(k3, (D_OUT, D_IN), dtype=jnp.float32) * (1.0 / np.sqrt(D_IN))
    b = jax.random.normal(k4, (D_OUT,), dtype=jnp.float32) * 0.01
    return {"x": x, "edge_index": edge_index, "W": W, "b": b}


def reference(x, edge_index, W, b):
    row = edge_index[0]
    col = edge_index[1]
    # degree normalization: deg^{-1/2}, inf -> 0 (matches torch code)
    deg = jnp.bincount(row, length=N).astype(jnp.float32)
    deg_inv_sqrt = jnp.power(deg, -0.5)
    deg_inv_sqrt = jnp.where(jnp.isinf(deg_inv_sqrt), 0.0, deg_inv_sqrt)
    norm = deg_inv_sqrt[row] * deg_inv_sqrt[col]
    # message passing: gather source features, scale by edge norm, scatter-add to dst
    msgs = norm[:, None] * jnp.take(x, col, axis=0)
    agg = jnp.zeros((N, D_IN), dtype=x.dtype).at[row].add(msgs)
    out = agg @ W.T + b
    return jax.nn.relu(out)

if __name__ == "__main__":
    import jax
    _d = setup_inputs()
    print(jax.jit(kernel)(*tuple(_d.values())))

</pallas_src>

<mosaic_0001>
#map = affine_map<(d0, d1) -> (0, 0)>
#map1 = affine_map<(d0, d1) -> (0, 0, 0, 0)>
#map2 = affine_map<(d0, d1) -> (0, 0, 0)>
module attributes {stable_mosaic.version = 14 : i64} {
  func.func @agg_kernel(%arg0: i32, %arg1: i32, %arg2: memref<10240x128xf32, #tpu.memory_space<hbm>>, %arg3: memref<2x32x80x128xi32, #tpu.memory_space<hbm>>, %arg4: memref<10240x128xf32, #tpu.memory_space<hbm>>, %arg5: memref<2x10240x128xf32, #tpu.memory_space<hbm>>, %arg6: memref<40x128xi32, #tpu.memory_space<vmem>>, %arg7: memref<40x128xi32, #tpu.memory_space<vmem>>, %arg8: memref<128x128xf32, #tpu.memory_space<vmem>>, %arg9: memref<128x128xf32, #tpu.memory_space<vmem>>, %arg10: memref<10240x128xf32, #tpu.memory_space<vmem_shared>>, %arg11: memref<!tpu.dma_semaphore, #tpu.memory_space<semaphore_mem>>, %arg12: memref<!tpu.dma_semaphore, #tpu.memory_space<semaphore_mem>>, %arg13: memref<!tpu.dma_semaphore, #tpu.memory_space<semaphore_mem>>) attributes {dimension_semantics = [#tpu.dimension_semantics<core_parallel>, #tpu.dimension_semantics<subcore_parallel>], iteration_bounds = array<i64: 2, 16>, scalar_prefetch = 0 : i64, scratch_operands = 8 : i64, tpu.core_type = #tpu.core_type<sc_vector_subcore>, window_params = [{transform_indices = #map}, {transform_indices = #map1}, {transform_indices = #map}, {transform_indices = #map2}]} {
    %mul3A = arith.constant 2 : i32
    %mul3A_0 = arith.muli %arg1, %mul3A : i32
    %add3A = arith.addi %mul3A_0, %arg0 : i32
    %mul3A_1 = arith.constant 640 : i32
    %mul3A_2 = arith.muli %arg1, %mul3A_1 : i32
    %mul3A_3 = arith.constant 640 : i32
    %mul3A_4 = arith.muli %arg1, %mul3A_3 : i32
    %dma_start3A = arith.constant 0 : i32
    %dma_start3A_5 = tpu.memref_slice %arg10[%mul3A_4, %dma_start3A] : memref<10240x128xf32, #tpu.memory_space<vmem_shared>> -> memref<640x128xf32, #tpu.memory_space<vmem_shared>>
    %dma_start3A_6 = arith.constant 0 : i32
    %dma_start3A_7 = tpu.memref_slice %arg4[%mul3A_2, %dma_start3A_6] : memref<10240x128xf32, #tpu.memory_space<hbm>> -> memref<640x128xf32, #tpu.memory_space<hbm>>
    tpu.enqueue_dma source(%dma_start3A_7 : memref<640x128xf32, #tpu.memory_space<hbm>>) target(%dma_start3A_5 : memref<640x128xf32, #tpu.memory_space<vmem_shared>>) target_semaphore(%arg13 : memref<!tpu.dma_semaphore, #tpu.memory_space<semaphore_mem>>)
    %run_scoped3A = arith.constant 1 : i32
    "tpu.region"() ({
      %run_scoped3A_58 = tpu.sem_alloc : memref<!tpu.dma_semaphore, #tpu.memory_space<semaphore_mem>>
      %dma_start3A_59 = arith.constant 0 : i32
      %dma_start3A_60 = arith.constant 0 : i32
      %dma_start3A_61 = tpu.memref_slice %arg3[%run_scoped3A, %add3A, %dma_start3A_59, %dma_start3A_60] : memref<2x32x80x128xi32, #tpu.memory_space<hbm>> -> memref<1x1x40x128xi32, #tpu.memory_space<hbm>>
      %dma_start3A_62 = tpu.memref_squeeze %dma_start3A_61 : memref<1x1x40x128xi32, #tpu.memory_space<hbm>> -> memref<40x128xi32, #tpu.memory_space<hbm>>
      %dma_start3A_63 = arith.constant 0 : i32
      %dma_start3A_64 = arith.constant 0 : i32
      %dma_start3A_65 = tpu.memref_slice %arg3[%run_scoped3A, %add3A, %dma_start3A_63, %dma_start3A_64] : memref<2x32x80x128xi32, #tpu.memory_space<hbm>> -> memref<1x1x40x128xi32, #tpu.memory_space<hbm>>
      %dma_start3A_66 = tpu.memref_squeeze %dma_start3A_65 : memref<1x1x40x128xi32, #tpu.memory_space<hbm>> -> memref<40x128xi32, #tpu.memory_space<hbm>>
      tpu.enqueue_dma source(%dma_start3A_66 : memref<40x128xi32, #tpu.memory_space<hbm>>) target(%arg6 : memref<40x128xi32, #tpu.memory_space<vmem>>) target_semaphore(%run_scoped3A_58 : memref<!tpu.dma_semaphore, #tpu.memory_space<semaphore_mem>>)
      %dma_wait3A_67 = arith.constant 0 : i32
      %dma_wait3A_68 = arith.constant 0 : i32
      %dma_wait3A_69 = tpu.memref_slice %arg3[%run_scoped3A, %add3A, %dma_wait3A_67, %dma_wait3A_68] : memref<2x32x80x128xi32, #tpu.memory_space<hbm>> -> memref<1x1x40x128xi32, #tpu.memory_space<hbm>>
      %dma_wait3A_70 = tpu.memref_squeeze %dma_wait3A_69 : memref<1x1x40x128xi32, #tpu.memory_space<hbm>> -> memref<40x128xi32, #tpu.memory_space<hbm>>
      %dma_wait3A_71 = arith.constant 0 : i32
      %dma_wait3A_72 = arith.constant 0 : i32
      %dma_wait3A_73 = tpu.memref_slice %arg3[%run_scoped3A, %add3A, %dma_wait3A_71, %dma_wait3A_72] : memref<2x32x80x128xi32, #tpu.memory_space<hbm>> -> memref<1x1x40x128xi32, #tpu.memory_space<hbm>>
      %dma_wait3A_74 = tpu.memref_squeeze %dma_wait3A_73 : memref<1x1x40x128xi32, #tpu.memory_space<hbm>> -> memref<40x128xi32, #tpu.memory_space<hbm>>
      tpu.wait_dma2 semaphore(%run_scoped3A_58 : memref<!tpu.dma_semaphore, #tpu.memory_space<semaphore_mem>>) src(%dma_wait3A_74 : memref<40x128xi32, #tpu.memory_space<hbm>>) dst(%arg6 : memref<40x128xi32, #tpu.memory_space<vmem>>)
      tpu.yield
    }) : () -> ()
    %run_scoped3A_8 = arith.constant 0 : i32
    "tpu.region"() ({
      %run_scoped3A_58 = tpu.sem_alloc : memref<!tpu.dma_semaphore, #tpu.memory_space<semaphore_mem>>
      %dma_start3A_59 = arith.constant 0 : i32
      %dma_start3A_60 = arith.constant 0 : i32
      %dma_start3A_61 = tpu.memref_slice %arg3[%run_scoped3A_8, %add3A, %dma_start3A_59, %dma_start3A_60] : memref<2x32x80x128xi32, #tpu.memory_space<hbm>> -> memref<1x1x40x128xi32, #tpu.memory_space<hbm>>
      %dma_start3A_62 = tpu.memref_squeeze %dma_start3A_61 : memref<1x1x40x128xi32, #tpu.memory_space<hbm>> -> memref<40x128xi32, #tpu.memory_space<hbm>>
      %dma_start3A_63 = arith.constant 0 : i32
      %dma_start3A_64 = arith.constant 0 : i32
      %dma_start3A_65 = tpu.memref_slice %arg3[%run_scoped3A_8, %add3A, %dma_start3A_63, %dma_start3A_64] : memref<2x32x80x128xi32, #tpu.memory_space<hbm>> -> memref<1x1x40x128xi32, #tpu.memory_space<hbm>>
      %dma_start3A_66 = tpu.memref_squeeze %dma_start3A_65 : memref<1x1x40x128xi32, #tpu.memory_space<hbm>> -> memref<40x128xi32, #tpu.memory_space<hbm>>
      tpu.enqueue_dma source(%dma_start3A_66 : memref<40x128xi32, #tpu.memory_space<hbm>>) target(%arg7 : memref<40x128xi32, #tpu.memory_space<vmem>>) target_semaphore(%run_scoped3A_58 : memref<!tpu.dma_semaphore, #tpu.memory_space<semaphore_mem>>)
      %dma_wait3A_67 = arith.constant 0 : i32
      %dma_wait3A_68 = arith.constant 0 : i32
      %dma_wait3A_69 = tpu.memref_slice %arg3[%run_scoped3A_8, %add3A, %dma_wait3A_67, %dma_wait3A_68] : memref<2x32x80x128xi32, #tpu.memory_space<hbm>> -> memref<1x1x40x128xi32, #tpu.memory_space<hbm>>
      %dma_wait3A_70 = tpu.memref_squeeze %dma_wait3A_69 : memref<1x1x40x128xi32, #tpu.memory_space<hbm>> -> memref<40x128xi32, #tpu.memory_space<hbm>>
      %dma_wait3A_71 = arith.constant 0 : i32
      %dma_wait3A_72 = arith.constant 0 : i32
      %dma_wait3A_73 = tpu.memref_slice %arg3[%run_scoped3A_8, %add3A, %dma_wait3A_71, %dma_wait3A_72] : memref<2x32x80x128xi32, #tpu.memory_space<hbm>> -> memref<1x1x40x128xi32, #tpu.memory_space<hbm>>
      %dma_wait3A_74 = tpu.memref_squeeze %dma_wait3A_73 : memref<1x1x40x128xi32, #tpu.memory_space<hbm>> -> memref<40x128xi32, #tpu.memory_space<hbm>>
      tpu.wait_dma2 semaphore(%run_scoped3A_58 : memref<!tpu.dma_semaphore, #tpu.memory_space<semaphore_mem>>) src(%dma_wait3A_74 : memref<40x128xi32, #tpu.memory_space<hbm>>) dst(%arg7 : memref<40x128xi32, #tpu.memory_space<vmem>>)
      tpu.yield
    }) : () -> ()
    %dma_start3A_9 = arith.constant 0 : i32
    %dma_start3A_10 = arith.constant 0 : i32
    %dma_start3A_11 = tpu.memref_slice %arg6[%dma_start3A_9, %dma_start3A_10] : memref<40x128xi32, #tpu.memory_space<vmem>> -> memref<1x128xi32, #tpu.memory_space<vmem>>
    %dma_start3A_12 = tpu.memref_squeeze %dma_start3A_11 : memref<1x128xi32, #tpu.memory_space<vmem>> -> memref<128xi32, #tpu.memory_space<vmem>>
    %dma_start3A_13 = arith.constant 0 : i32
    %dma_start3A_14 = arith.constant 0 : i32
    %dma_start3A_15 = tpu.memref_slice %arg2[%dma_start3A_13, %dma_start3A_14] : memref<10240x128xf32, #tpu.memory_space<hbm>> -> memref<10240x128xf32, #tpu.memory_space<hbm>>
    tpu.enqueue_indirect_dma source(%dma_start3A_15 : memref<10240x128xf32, #tpu.memory_space<hbm>>) target(%arg8 : memref<128x128xf32, #tpu.memory_space<vmem>>) offsets(%dma_start3A_12 : memref<128xi32, #tpu.memory_space<vmem>>) semaphore(%arg11 : memref<!tpu.dma_semaphore, #tpu.memory_space<semaphore_mem>>)
    %dma_start3A_16 = arith.constant 1 : i32
    %dma_start3A_17 = arith.constant 0 : i32
    %dma_start3A_18 = tpu.memref_slice %arg6[%dma_start3A_16, %dma_start3A_17] : memref<40x128xi32, #tpu.memory_space<vmem>> -> memref<1x128xi32, #tpu.memory_space<vmem>>
    %dma_start3A_19 = tpu.memref_squeeze %dma_start3A_18 : memref<1x128xi32, #tpu.memory_space<vmem>> -> memref<128xi32, #tpu.memory_space<vmem>>
    %dma_start3A_20 = arith.constant 0 : i32
    %dma_start3A_21 = arith.constant 0 : i32
    %dma_start3A_22 = tpu.memref_slice %arg2[%dma_start3A_20, %dma_start3A_21] : memref<10240x128xf32, #tpu.memory_space<hbm>> -> memref<10240x128xf32, #tpu.memory_space<hbm>>
    tpu.enqueue_indirect_dma source(%dma_start3A_22 : memref<10240x128xf32, #tpu.memory_space<hbm>>) target(%arg9 : memref<128x128xf32, #tpu.memory_space<vmem>>) offsets(%dma_start3A_19 : memref<128xi32, #tpu.memory_space<vmem>>) semaphore(%arg12 : memref<!tpu.dma_semaphore, #tpu.memory_space<semaphore_mem>>)
    %dma_wait3A = arith.constant 0 : i32
    %dma_wait3A_23 = tpu.memref_slice %arg10[%mul3A_4, %dma_wait3A] : memref<10240x128xf32, #tpu.memory_space<vmem_shared>> -> memref<640x128xf32, #tpu.memory_space<vmem_shared>>
    %dma_wait3A_24 = arith.constant 0 : i32
    %dma_wait3A_25 = tpu.memref_slice %arg4[%mul3A_2, %dma_wait3A_24] : memref<10240x128xf32, #tpu.memory_space<hbm>> -> memref<640x128xf32, #tpu.memory_space<hbm>>
    tpu.wait_dma2 semaphore(%arg13 : memref<!tpu.dma_semaphore, #tpu.memory_space<semaphore_mem>>) src(%dma_wait3A_25 : memref<640x128xf32, #tpu.memory_space<hbm>>) dst(%dma_wait3A_23 : memref<640x128xf32, #tpu.memory_space<vmem_shared>>)
    %barrier3A = arith.constant 0 : index
    tpu.barrier barrier_id(%barrier3A)
    %scan3A = arith.constant 0 : i32
    %scan3A_26 = arith.constant 0 : i32
    %scan3A_27 = arith.constant 20 : i32
    %scan3A_28 = arith.addi %scan3A_26, %scan3A_27 : i32
    %scan3A_29 = arith.constant 1 : i32
    scf.for %scan3A_58 = %scan3A_26 to %scan3A_28 step %scan3A_29  : i32 {
      %mul3A_59 = arith.constant 2 : i32
      %mul3A_60 = arith.muli %scan3A_58, %mul3A_59 : i32
      %add3A_61 = arith.constant 0 : i32
      %add3A_62 = arith.addi %mul3A_60, %add3A_61 : i32
      %dma_wait3A_63 = arith.constant 0 : i32
      %dma_wait3A_64 = tpu.memref_slice %arg6[%add3A_62, %dma_wait3A_63] : memref<40x128xi32, #tpu.memory_space<vmem>> -> memref<1x128xi32, #tpu.memory_space<vmem>>
      %dma_wait3A_65 = tpu.memref_squeeze %dma_wait3A_64 : memref<1x128xi32, #tpu.memory_space<vmem>> -> memref<128xi32, #tpu.memory_space<vmem>>
      %dma_wait3A_66 = arith.constant 0 : i32
      %dma_wait3A_67 = arith.constant 0 : i32
      %dma_wait3A_68 = tpu.memref_slice %arg2[%dma_wait3A_66, %dma_wait3A_67] : memref<10240x128xf32, #tpu.memory_space<hbm>> -> memref<10240x128xf32, #tpu.memory_space<hbm>>
      tpu.wait_indirect_dma semaphore(%arg11 : memref<!tpu.dma_semaphore, #tpu.memory_space<semaphore_mem>>) src(%dma_wait3A_68 : memref<10240x128xf32, #tpu.memory_space<hbm>>) dst(%arg8 : memref<128x128xf32, #tpu.memory_space<vmem>>)
      "tpu.region"() ({
        %run_scoped3A_88 = tpu.sem_alloc : memref<!tpu.dma_semaphore, #tpu.memory_space<semaphore_mem>>
        %dma_start3A_89 = arith.constant 0 : i32
        %dma_start3A_90 = tpu.memref_slice %arg7[%add3A_62, %dma_start3A_89] : memref<40x128xi32, #tpu.memory_space<vmem>> -> memref<1x128xi32, #tpu.memory_space<vmem>>
        %dma_start3A_91 = tpu.memref_squeeze %dma_start3A_90 : memref<1x128xi32, #tpu.memory_space<vmem>> -> memref<128xi32, #tpu.memory_space<vmem>>
        %dma_start3A_92 = arith.constant 0 : i32
        %dma_start3A_93 = arith.constant 0 : i32
        %dma_start3A_94 = tpu.memref_slice %arg10[%dma_start3A_92, %dma_start3A_93] : memref<10240x128xf32, #tpu.memory_space<vmem_shared>> -> memref<10240x128xf32, #tpu.memory_space<vmem_shared>>
        tpu.enqueue_indirect_dma source(%arg8 : memref<128x128xf32, #tpu.memory_space<vmem>>) target(%dma_start3A_94 : memref<10240x128xf32, #tpu.memory_space<vmem_shared>>) offsets(%dma_start3A_91 : memref<128xi32, #tpu.memory_space<vmem>>) semaphore(%run_scoped3A_88 : memref<!tpu.dma_semaphore, #tpu.memory_space<semaphore_mem>>) {add = true}
        %dma_wait3A_95 = arith.constant 0 : i32
        %dma_wait3A_96 = tpu.memref_slice %arg7[%add3A_62, %dma_wait3A_95] : memref<40x128xi32, #tpu.memory_space<vmem>> -> memref<1x128xi32, #tpu.memory_space<vmem>>
        %dma_wait3A_97 = tpu.memref_squeeze %dma_wait3A_96 : memref<1x128xi32, #tpu.memory_space<vmem>> -> memref<128xi32, #tpu.memory_space<vmem>>
        %dma_wait3A_98 = arith.constant 0 : i32
        %dma_wait3A_99 = arith.constant 0 : i32
        %dma_wait3A_100 = tpu.memref_slice %arg10[%dma_wait3A_98, %dma_wait3A_99] : memref<10240x128xf32, #tpu.memory_space<vmem_shared>> -> memref<10240x128xf32, #tpu.memory_space<vmem_shared>>
        tpu.wait_indirect_dma semaphore(%run_scoped3A_88 : memref<!tpu.dma_semaphore, #tpu.memory_space<semaphore_mem>>) src(%arg8 : memref<128x128xf32, #tpu.memory_space<vmem>>) dst(%dma_wait3A_100 : memref<10240x128xf32, #tpu.memory_space<vmem_shared>>)
        tpu.yield
      }) : () -> ()
      %add3A_69 = arith.constant 2 : i32
      %add3A_70 = arith.addi %add3A_62, %add3A_69 : i32
      %lt3A = arith.constant 40 : i32
      %lt3A_71 = arith.cmpi slt, %add3A_70, %lt3A : i32
      %convert_element_type3A = arith.extui %lt3A_71 : i1 to i32
      %cond3A = arith.constant 0 : i32
      %cond3A_72 = arith.cmpi ne, %convert_element_type3A, %cond3A : i32
      scf.if %cond3A_72 {
        %dma_start3A_88 = arith.constant 0 : i32
        %dma_start3A_89 = tpu.memref_slice %arg6[%add3A_70, %dma_start3A_88] : memref<40x128xi32, #tpu.memory_space<vmem>> -> memref<1x128xi32, #tpu.memory_space<vmem>>
        %dma_start3A_90 = tpu.memref_squeeze %dma_start3A_89 : memref<1x128xi32, #tpu.memory_space<vmem>> -> memref<128xi32, #tpu.memory_space<vmem>>
        %dma_start3A_91 = arith.constant 0 : i32
        %dma_start3A_92 = arith.constant 0 : i32
        %dma_start3A_93 = tpu.memref_slice %arg2[%dma_start3A_91, %dma_start3A_92] : memref<10240x128xf32, #tpu.memory_space<hbm>> -> memref<10240x128xf32, #tpu.memory_space<hbm>>
        tpu.enqueue_indirect_dma source(%dma_start3A_93 : memref<10240x128xf32, #tpu.memory_space<hbm>>) target(%arg8 : memref<128x128xf32, #tpu.memory_space<vmem>>) offsets(%dma_start3A_90 : memref<128xi32, #tpu.memory_space<vmem>>) semaphore(%arg11 : memref<!tpu.dma_semaphore, #tpu.memory_space<semaphore_mem>>)
      } else {
      }
      %add3A_73 = arith.constant 1 : i32
      %add3A_74 = arith.addi %mul3A_60, %add3A_73 : i32
      %dma_wait3A_75 = arith.constant 0 : i32
      %dma_wait3A_76 = tpu.memref_slice %arg6[%add3A_74, %dma_wait3A_75] : memref<40x128xi32, #tpu.memory_space<vmem>> -> memref<1x128xi32, #tpu.memory_space<vmem>>
      %dma_wait3A_77 = tpu.memref_squeeze %dma_wait3A_76 : memref<1x128xi32, #tpu.memory_space<vmem>> -> memref<128xi32, #tpu.memory_space<vmem>>
      %dma_wait3A_78 = arith.constant 0 : i32
      %dma_wait3A_79 = arith.constant 0 : i32
      %dma_wait3A_80 = tpu.memref_slice %arg2[%dma_wait3A_78, %dma_wait3A_79] : memref<10240x128xf32, #tpu.memory_space<hbm>> -> memref<10240x128xf32, #tpu.memory_space<hbm>>
      tpu.wait_indirect_dma semaphore(%arg12 : memref<!tpu.dma_semaphore, #tpu.memory_space<semaphore_mem>>) src(%dma_wait3A_80 : memref<10240x128xf32, #tpu.memory_space<hbm>>) dst(%arg9 : memref<128x128xf32, #tpu.memory_space<vmem>>)
      "tpu.region"() ({
        %run_scoped3A_88 = tpu.sem_alloc : memref<!tpu.dma_semaphore, #tpu.memory_space<semaphore_mem>>
        %dma_start3A_89 = arith.constant 0 : i32
        %dma_start3A_90 = tpu.memref_slice %arg7[%add3A_74, %dma_start3A_89] : memref<40x128xi32, #tpu.memory_space<vmem>> -> memref<1x128xi32, #tpu.memory_space<vmem>>
        %dma_start3A_91 = tpu.memref_squeeze %dma_start3A_90 : memref<1x128xi32, #tpu.memory_space<vmem>> -> memref<128xi32, #tpu.memory_space<vmem>>
        %dma_start3A_92 = arith.constant 0 : i32
        %dma_start3A_93 = arith.constant 0 : i32
        %dma_start3A_94 = tpu.memref_slice %arg10[%dma_start3A_92, %dma_start3A_93] : memref<10240x128xf32, #tpu.memory_space<vmem_shared>> -> memref<10240x128xf32, #tpu.memory_space<vmem_shared>>
        tpu.enqueue_indirect_dma source(%arg9 : memref<128x128xf32, #tpu.memory_space<vmem>>) target(%dma_start3A_94 : memref<10240x128xf32, #tpu.memory_space<vmem_shared>>) offsets(%dma_start3A_91 : memref<128xi32, #tpu.memory_space<vmem>>) semaphore(%run_scoped3A_88 : memref<!tpu.dma_semaphore, #tpu.memory_space<semaphore_mem>>) {add = true}
        %dma_wait3A_95 = arith.constant 0 : i32
        %dma_wait3A_96 = tpu.memref_slice %arg7[%add3A_74, %dma_wait3A_95] : memref<40x128xi32, #tpu.memory_space<vmem>> -> memref<1x128xi32, #tpu.memory_space<vmem>>
        %dma_wait3A_97 = tpu.memref_squeeze %dma_wait3A_96 : memref<1x128xi32, #tpu.memory_space<vmem>> -> memref<128xi32, #tpu.memory_space<vmem>>
        %dma_wait3A_98 = arith.constant 0 : i32
        %dma_wait3A_99 = arith.constant 0 : i32
        %dma_wait3A_100 = tpu.memref_slice %arg10[%dma_wait3A_98, %dma_wait3A_99] : memref<10240x128xf32, #tpu.memory_space<vmem_shared>> -> memref<10240x128xf32, #tpu.memory_space<vmem_shared>>
        tpu.wait_indirect_dma semaphore(%run_scoped3A_88 : memref<!tpu.dma_semaphore, #tpu.memory_space<semaphore_mem>>) src(%arg9 : memref<128x128xf32, #tpu.memory_space<vmem>>) dst(%dma_wait3A_100 : memref<10240x128xf32, #tpu.memory_space<vmem_shared>>)
        tpu.yield
      }) : () -> ()
      %add3A_81 = arith.constant 2 : i32
      %add3A_82 = arith.addi %add3A_74, %add3A_81 : i32
      %lt3A_83 = arith.constant 40 : i32
      %lt3A_84 = arith.cmpi slt, %add3A_82, %lt3A_83 : i32
      %convert_element_type3A_85 = arith.extui %lt3A_84 : i1 to i32
      %cond3A_86 = arith.constant 0 : i32
      %cond3A_87 = arith.cmpi ne, %convert_element_type3A_85, %cond3A_86 : i32
      scf.if %cond3A_87 {
        %dma_start3A_88 = arith.constant 0 : i32
        %dma_start3A_89 = tpu.memref_slice %arg6[%add3A_82, %dma_start3A_88] : memref<40x128xi32, #tpu.memory_space<vmem>> -> memref<1x128xi32, #tpu.memory_space<vmem>>
        %dma_start3A_90 = tpu.memref_squeeze %dma_start3A_89 : memref<1x128xi32, #tpu.memory_space<vmem>> -> memref<128xi32, #tpu.memory_space<vmem>>
        %dma_start3A_91 = arith.constant 0 : i32
        %dma_start3A_92 = arith.constant 0 : i32
        %dma_start3A_93 = tpu.memref_slice %arg2[%dma_start3A_91, %dma_start3A_92] : memref<10240x128xf32, #tpu.memory_space<hbm>> -> memref<10240x128xf32, #tpu.memory_space<hbm>>
        tpu.enqueue_indirect_dma source(%dma_start3A_93 : memref<10240x128xf32, #tpu.memory_space<hbm>>) target(%arg9 : memref<128x128xf32, #tpu.memory_space<vmem>>) offsets(%dma_start3A_90 : memref<128xi32, #tpu.memory_space<vmem>>) semaphore(%arg12 : memref<!tpu.dma_semaphore, #tpu.memory_space<semaphore_mem>>)
      } else {
      }
    }
    %scan3A_30 = arith.constant 20 : i32
    %run_scoped3A_31 = arith.constant 1 : i32
    "tpu.region"() ({
      %run_scoped3A_58 = tpu.sem_alloc : memref<!tpu.dma_semaphore, #tpu.memory_space<semaphore_mem>>
      %dma_start3A_59 = arith.constant 40 : i32
      %dma_start3A_60 = arith.constant 0 : i32
      %dma_start3A_61 = tpu.memref_slice %arg3[%run_scoped3A_31, %add3A, %dma_start3A_59, %dma_start3A_60] : memref<2x32x80x128xi32, #tpu.memory_space<hbm>> -> memref<1x1x40x128xi32, #tpu.memory_space<hbm>>
      %dma_start3A_62 = tpu.memref_squeeze %dma_start3A_61 : memref<1x1x40x128xi32, #tpu.memory_space<hbm>> -> memref<40x128xi32, #tpu.memory_space<hbm>>
      %dma_start3A_63 = arith.constant 40 : i32
      %dma_start3A_64 = arith.constant 0 : i32
      %dma_start3A_65 = tpu.memref_slice %arg3[%run_scoped3A_31, %add3A, %dma_start3A_63, %dma_start3A_64] : memref<2x32x80x128xi32, #tpu.memory_space<hbm>> -> memref<1x1x40x128xi32, #tpu.memory_space<hbm>>
      %dma_start3A_66 = tpu.memref_squeeze %dma_start3A_65 : memref<1x1x40x128xi32, #tpu.memory_space<hbm>> -> memref<40x128xi32, #tpu.memory_space<hbm>>
      tpu.enqueue_dma source(%dma_start3A_66 : memref<40x128xi32, #tpu.memory_space<hbm>>) target(%arg6 : memref<40x128xi32, #tpu.memory_space<vmem>>) target_semaphore(%run_scoped3A_58 : memref<!tpu.dma_semaphore, #tpu.memory_space<semaphore_mem>>)
      %dma_wait3A_67 = arith.constant 40 : i32
      %dma_wait3A_68 = arith.constant 0 : i32
      %dma_wait3A_69 = tpu.memref_slice %arg3[%run_scoped3A_31, %add3A, %dma_wait3A_67, %dma_wait3A_68] : memref<2x32x80x128xi32, #tpu.memory_space<hbm>> -> memref<1x1x40x128xi32, #tpu.memory_space<hbm>>
      %dma_wait3A_70 = tpu.memref_squeeze %dma_wait3A_69 : memref<1x1x40x128xi32, #tpu.memory_space<hbm>> -> memref<40x128xi32, #tpu.memory_space<hbm>>
      %dma_wait3A_71 = arith.constant 40 : i32
      %dma_wait3A_72 = arith.constant 0 : i32
      %dma_wait3A_73 = tpu.memref_slice %arg3[%run_scoped3A_31, %add3A, %dma_wait3A_71, %dma_wait3A_72] : memref<2x32x80x128xi32, #tpu.memory_space<hbm>> -> memref<1x1x40x128xi32, #tpu.memory_space<hbm>>
      %dma_wait3A_74 = tpu.memref_squeeze %dma_wait3A_73 : memref<1x1x40x128xi32, #tpu.memory_space<hbm>> -> memref<40x128xi32, #tpu.memory_space<hbm>>
      tpu.wait_dma2 semaphore(%run_scoped3A_58 : memref<!tpu.dma_semaphore, #tpu.memory_space<semaphore_mem>>) src(%dma_wait3A_74 : memref<40x128xi32, #tpu.memory_space<hbm>>) dst(%arg6 : memref<40x128xi32, #tpu.memory_space<vmem>>)
      tpu.yield
    }) : () -> ()
    %run_scoped3A_32 = arith.constant 0 : i32
    "tpu.region"() ({
      %run_scoped3A_58 = tpu.sem_alloc : memref<!tpu.dma_semaphore, #tpu.memory_space<semaphore_mem>>
      %dma_start3A_59 = arith.constant 40 : i32
      %dma_start3A_60 = arith.constant 0 : i32
      %dma_start3A_61 = tpu.memref_slice %arg3[%run_scoped3A_32, %add3A, %dma_start3A_59, %dma_start3A_60] : memref<2x32x80x128xi32, #tpu.memory_space<hbm>> -> memref<1x1x40x128xi32, #tpu.memory_space<hbm>>
      %dma_start3A_62 = tpu.memref_squeeze %dma_start3A_61 : memref<1x1x40x128xi32, #tpu.memory_space<hbm>> -> memref<40x128xi32, #tpu.memory_space<hbm>>
      %dma_start3A_63 = arith.constant 40 : i32
      %dma_start3A_64 = arith.constant 0 : i32
      %dma_start3A_65 = tpu.memref_slice %arg3[%run_scoped3A_32, %add3A, %dma_start3A_63, %dma_start3A_64] : memref<2x32x80x128xi32, #tpu.memory_space<hbm>> -> memref<1x1x40x128xi32, #tpu.memory_space<hbm>>
      %dma_start3A_66 = tpu.memref_squeeze %dma_start3A_65 : memref<1x1x40x128xi32, #tpu.memory_space<hbm>> -> memref<40x128xi32, #tpu.memory_space<hbm>>
      tpu.enqueue_dma source(%dma_start3A_66 : memref<40x128xi32, #tpu.memory_space<hbm>>) target(%arg7 : memref<40x128xi32, #tpu.memory_space<vmem>>) target_semaphore(%run_scoped3A_58 : memref<!tpu.dma_semaphore, #tpu.memory_space<semaphore_mem>>)
      %dma_wait3A_67 = arith.constant 40 : i32
      %dma_wait3A_68 = arith.constant 0 : i32
      %dma_wait3A_69 = tpu.memref_slice %arg3[%run_scoped3A_32, %add3A, %dma_wait3A_67, %dma_wait3A_68] : memref<2x32x80x128xi32, #tpu.memory_space<hbm>> -> memref<1x1x40x128xi32, #tpu.memory_space<hbm>>
      %dma_wait3A_70 = tpu.memref_squeeze %dma_wait3A_69 : memref<1x1x40x128xi32, #tpu.memory_space<hbm>> -> memref<40x128xi32, #tpu.memory_space<hbm>>
      %dma_wait3A_71 = arith.constant 40 : i32
      %dma_wait3A_72 = arith.constant 0 : i32
      %dma_wait3A_73 = tpu.memref_slice %arg3[%run_scoped3A_32, %add3A, %dma_wait3A_71, %dma_wait3A_72] : memref<2x32x80x128xi32, #tpu.memory_space<hbm>> -> memref<1x1x40x128xi32, #tpu.memory_space<hbm>>
      %dma_wait3A_74 = tpu.memref_squeeze %dma_wait3A_73 : memref<1x1x40x128xi32, #tpu.memory_space<hbm>> -> memref<40x128xi32, #tpu.memory_space<hbm>>
      tpu.wait_dma2 semaphore(%run_scoped3A_58 : memref<!tpu.dma_semaphore, #tpu.memory_space<semaphore_mem>>) src(%dma_wait3A_74 : memref<40x128xi32, #tpu.memory_space<hbm>>) dst(%arg7 : memref<40x128xi32, #tpu.memory_space<vmem>>)
      tpu.yield
    }) : () -> ()
    %dma_start3A_33 = arith.constant 0 : i32
    %dma_start3A_34 = arith.constant 0 : i32
    %dma_start3A_35 = tpu.memref_slice %arg6[%dma_start3A_33, %dma_start3A_34] : memref<40x128xi32, #tpu.memory_space<vmem>> -> memref<1x128xi32, #tpu.memory_space<vmem>>
    %dma_start3A_36 = tpu.memref_squeeze %dma_start3A_35 : memref<1x128xi32, #tpu.memory_space<vmem>> -> memref<128xi32, #tpu.memory_space<vmem>>
    %dma_start3A_37 = arith.constant 0 : i32
    %dma_start3A_38 = arith.constant 0 : i32
    %dma_start3A_39 = tpu.memref_slice %arg2[%dma_start3A_37, %dma_start3A_38] : memref<10240x128xf32, #tpu.memory_space<hbm>> -> memref<10240x128xf32, #tpu.memory_space<hbm>>
    tpu.enqueue_indirect_dma source(%dma_start3A_39 : memref<10240x128xf32, #tpu.memory_space<hbm>>) target(%arg8 : memref<128x128xf32, #tpu.memory_space<vmem>>) offsets(%dma_start3A_36 : memref<128xi32, #tpu.memory_space<vmem>>) semaphore(%arg11 : memref<!tpu.dma_semaphore, #tpu.memory_space<semaphore_mem>>)
    %dma_start3A_40 = arith.constant 1 : i32
    %dma_start3A_41 = arith.constant 0 : i32
    %dma_start3A_42 = tpu.memref_slice %arg6[%dma_start3A_40, %dma_start3A_41] : memref<40x128xi32, #tpu.memory_space<vmem>> -> memref<1x128xi32, #tpu.memory_space<vmem>>
    %dma_start3A_43 = tpu.memref_squeeze %dma_start3A_42 : memref<1x128xi32, #tpu.memory_space<vmem>> -> memref<128xi32, #tpu.memory_space<vmem>>
    %dma_start3A_44 = arith.constant 0 : i32
    %dma_start3A_45 = arith.constant 0 : i32
    %dma_start3A_46 = tpu.memref_slice %arg2[%dma_start3A_44, %dma_start3A_45] : memref<10240x128xf32, #tpu.memory_space<hbm>> -> memref<10240x128xf32, #tpu.memory_space<hbm>>
    tpu.enqueue_indirect_dma source(%dma_start3A_46 : memref<10240x128xf32, #tpu.memory_space<hbm>>) target(%arg9 : memref<128x128xf32, #tpu.memory_space<vmem>>) offsets(%dma_start3A_43 : memref<128xi32, #tpu.memory_space<vmem>>) semaphore(%arg12 : memref<!tpu.dma_semaphore, #tpu.memory_space<semaphore_mem>>)
    %scan3A_47 = arith.constant 0 : i32
    %scan3A_48 = arith.constant 0 : i32
    %scan3A_49 = arith.constant 20 : i32
    %scan3A_50 = arith.addi %scan3A_48, %scan3A_49 : i32
    %scan3A_51 = arith.constant 1 : i32
    scf.for %scan3A_58 = %scan3A_48 to %scan3A_50 step %scan3A_51  : i32 {
      %mul3A_59 = arith.constant 2 : i32
      %mul3A_60 = arith.muli %scan3A_58, %mul3A_59 : i32
      %add3A_61 = arith.constant 0 : i32
      %add3A_62 = arith.addi %mul3A_60, %add3A_61 : i32
      %dma_wait3A_63 = arith.constant 0 : i32
      %dma_wait3A_64 = tpu.memref_slice %arg6[%add3A_62, %dma_wait3A_63] : memref<40x128xi32, #tpu.memory_space<vmem>> -> memref<1x128xi32, #tpu.memory_space<vmem>>
      %dma_wait3A_65 = tpu.memref_squeeze %dma_wait3A_64 : memref<1x128xi32, #tpu.memory_space<vmem>> -> memref<128xi32, #tpu.memory_space<vmem>>
      %dma_wait3A_66 = arith.constant 0 : i32
      %dma_wait3A_67 = arith.constant 0 : i32
      %dma_wait3A_68 = tpu.memref_slice %arg2[%dma_wait3A_66, %dma_wait3A_67] : memref<10240x128xf32, #tpu.memory_space<hbm>> -> memref<10240x128xf32, #tpu.memory_space<hbm>>
      tpu.wait_indirect_dma semaphore(%arg11 : memref<!tpu.dma_semaphore, #tpu.memory_space<semaphore_mem>>) src(%dma_wait3A_68 : memref<10240x128xf32, #tpu.memory_space<hbm>>) dst(%arg8 : memref<128x128xf32, #tpu.memory_space<vmem>>)
      "tpu.region"() ({
        %run_scoped3A_88 = tpu.sem_alloc : memref<!tpu.dma_semaphore, #tpu.memory_space<semaphore_mem>>
        %dma_start3A_89 = arith.constant 0 : i32
        %dma_start3A_90 = tpu.memref_slice %arg7[%add3A_62, %dma_start3A_89] : memref<40x128xi32, #tpu.memory_space<vmem>> -> memref<1x128xi32, #tpu.memory_space<vmem>>
        %dma_start3A_91 = tpu.memref_squeeze %dma_start3A_90 : memref<1x128xi32, #tpu.memory_space<vmem>> -> memref<128xi32, #tpu.memory_space<vmem>>
        %dma_start3A_92 = arith.constant 0 : i32
        %dma_start3A_93 = arith.constant 0 : i32
        %dma_start3A_94 = tpu.memref_slice %arg10[%dma_start3A_92, %dma_start3A_93] : memref<10240x128xf32, #tpu.memory_space<vmem_shared>> -> memref<10240x128xf32, #tpu.memory_space<vmem_shared>>
        tpu.enqueue_indirect_dma source(%arg8 : memref<128x128xf32, #tpu.memory_space<vmem>>) target(%dma_start3A_94 : memref<10240x128xf32, #tpu.memory_space<vmem_shared>>) offsets(%dma_start3A_91 : memref<128xi32, #tpu.memory_space<vmem>>) semaphore(%run_scoped3A_88 : memref<!tpu.dma_semaphore, #tpu.memory_space<semaphore_mem>>) {add = true}
        %dma_wait3A_95 = arith.constant 0 : i32
        %dma_wait3A_96 = tpu.memref_slice %arg7[%add3A_62, %dma_wait3A_95] : memref<40x128xi32, #tpu.memory_space<vmem>> -> memref<1x128xi32, #tpu.memory_space<vmem>>
        %dma_wait3A_97 = tpu.memref_squeeze %dma_wait3A_96 : memref<1x128xi32, #tpu.memory_space<vmem>> -> memref<128xi32, #tpu.memory_space<vmem>>
        %dma_wait3A_98 = arith.constant 0 : i32
        %dma_wait3A_99 = arith.constant 0 : i32
        %dma_wait3A_100 = tpu.memref_slice %arg10[%dma_wait3A_98, %dma_wait3A_99] : memref<10240x128xf32, #tpu.memory_space<vmem_shared>> -> memref<10240x128xf32, #tpu.memory_space<vmem_shared>>
        tpu.wait_indirect_dma semaphore(%run_scoped3A_88 : memref<!tpu.dma_semaphore, #tpu.memory_space<semaphore_mem>>) src(%arg8 : memref<128x128xf32, #tpu.memory_space<vmem>>) dst(%dma_wait3A_100 : memref<10240x128xf32, #tpu.memory_space<vmem_shared>>)
        tpu.yield
      }) : () -> ()
      %add3A_69 = arith.constant 2 : i32
      %add3A_70 = arith.addi %add3A_62, %add3A_69 : i32
      %lt3A = arith.constant 40 : i32
      %lt3A_71 = arith.cmpi slt, %add3A_70, %lt3A : i32
      %convert_element_type3A = arith.extui %lt3A_71 : i1 to i32
      %cond3A = arith.constant 0 : i32
      %cond3A_72 = arith.cmpi ne, %convert_element_type3A, %cond3A : i32
      scf.if %cond3A_72 {
        %dma_start3A_88 = arith.constant 0 : i32
        %dma_start3A_89 = tpu.memref_slice %arg6[%add3A_70, %dma_start3A_88] : memref<40x128xi32, #tpu.memory_space<vmem>> -> memref<1x128xi32, #tpu.memory_space<vmem>>
        %dma_start3A_90 = tpu.memref_squeeze %dma_start3A_89 : memref<1x128xi32, #tpu.memory_space<vmem>> -> memref<128xi32, #tpu.memory_space<vmem>>
        %dma_start3A_91 = arith.constant 0 : i32
        %dma_start3A_92 = arith.constant 0 : i32
        %dma_start3A_93 = tpu.memref_slice %arg2[%dma_start3A_91, %dma_start3A_92] : memref<10240x128xf32, #tpu.memory_space<hbm>> -> memref<10240x128xf32, #tpu.memory_space<hbm>>
        tpu.enqueue_indirect_dma source(%dma_start3A_93 : memref<10240x128xf32, #tpu.memory_space<hbm>>) target(%arg8 : memref<128x128xf32, #tpu.memory_space<vmem>>) offsets(%dma_start3A_90 : memref<128xi32, #tpu.memory_space<vmem>>) semaphore(%arg11 : memref<!tpu.dma_semaphore, #tpu.memory_space<semaphore_mem>>)
      } else {
      }
      %add3A_73 = arith.constant 1 : i32
      %add3A_74 = arith.addi %mul3A_60, %add3A_73 : i32
      %dma_wait3A_75 = arith.constant 0 : i32
      %dma_wait3A_76 = tpu.memref_slice %arg6[%add3A_74, %dma_wait3A_75] : memref<40x128xi32, #tpu.memory_space<vmem>> -> memref<1x128xi32, #tpu.memory_space<vmem>>
      %dma_wait3A_77 = tpu.memref_squeeze %dma_wait3A_76 : memref<1x128xi32, #tpu.memory_space<vmem>> -> memref<128xi32, #tpu.memory_space<vmem>>
      %dma_wait3A_78 = arith.constant 0 : i32
      %dma_wait3A_79 = arith.constant 0 : i32
      %dma_wait3A_80 = tpu.memref_slice %arg2[%dma_wait3A_78, %dma_wait3A_79] : memref<10240x128xf32, #tpu.memory_space<hbm>> -> memref<10240x128xf32, #tpu.memory_space<hbm>>
      tpu.wait_indirect_dma semaphore(%arg12 : memref<!tpu.dma_semaphore, #tpu.memory_space<semaphore_mem>>) src(%dma_wait3A_80 : memref<10240x128xf32, #tpu.memory_space<hbm>>) dst(%arg9 : memref<128x128xf32, #tpu.memory_space<vmem>>)
      "tpu.region"() ({
        %run_scoped3A_88 = tpu.sem_alloc : memref<!tpu.dma_semaphore, #tpu.memory_space<semaphore_mem>>
        %dma_start3A_89 = arith.constant 0 : i32
        %dma_start3A_90 = tpu.memref_slice %arg7[%add3A_74, %dma_start3A_89] : memref<40x128xi32, #tpu.memory_space<vmem>> -> memref<1x128xi32, #tpu.memory_space<vmem>>
        %dma_start3A_91 = tpu.memref_squeeze %dma_start3A_90 : memref<1x128xi32, #tpu.memory_space<vmem>> -> memref<128xi32, #tpu.memory_space<vmem>>
        %dma_start3A_92 = arith.constant 0 : i32
        %dma_start3A_93 = arith.constant 0 : i32
        %dma_start3A_94 = tpu.memref_slice %arg10[%dma_start3A_92, %dma_start3A_93] : memref<10240x128xf32, #tpu.memory_space<vmem_shared>> -> memref<10240x128xf32, #tpu.memory_space<vmem_shared>>
        tpu.enqueue_indirect_dma source(%arg9 : memref<128x128xf32, #tpu.memory_space<vmem>>) target(%dma_start3A_94 : memref<10240x128xf32, #tpu.memory_space<vmem_shared>>) offsets(%dma_start3A_91 : memref<128xi32, #tpu.memory_space<vmem>>) semaphore(%run_scoped3A_88 : memref<!tpu.dma_semaphore, #tpu.memory_space<semaphore_mem>>) {add = true}
        %dma_wait3A_95 = arith.constant 0 : i32
        %dma_wait3A_96 = tpu.memref_slice %arg7[%add3A_74, %dma_wait3A_95] : memref<40x128xi32, #tpu.memory_space<vmem>> -> memref<1x128xi32, #tpu.memory_space<vmem>>
        %dma_wait3A_97 = tpu.memref_squeeze %dma_wait3A_96 : memref<1x128xi32, #tpu.memory_space<vmem>> -> memref<128xi32, #tpu.memory_space<vmem>>
        %dma_wait3A_98 = arith.constant 0 : i32
        %dma_wait3A_99 = arith.constant 0 : i32
        %dma_wait3A_100 = tpu.memref_slice %arg10[%dma_wait3A_98, %dma_wait3A_99] : memref<10240x128xf32, #tpu.memory_space<vmem_shared>> -> memref<10240x128xf32, #tpu.memory_space<vmem_shared>>
        tpu.wait_indirect_dma semaphore(%run_scoped3A_88 : memref<!tpu.dma_semaphore, #tpu.memory_space<semaphore_mem>>) src(%arg9 : memref<128x128xf32, #tpu.memory_space<vmem>>) dst(%dma_wait3A_100 : memref<10240x128xf32, #tpu.memory_space<vmem_shared>>)
        tpu.yield
      }) : () -> ()
      %add3A_81 = arith.constant 2 : i32
      %add3A_82 = arith.addi %add3A_74, %add3A_81 : i32
      %lt3A_83 = arith.constant 40 : i32
      %lt3A_84 = arith.cmpi slt, %add3A_82, %lt3A_83 : i32
      %convert_element_type3A_85 = arith.extui %lt3A_84 : i1 to i32
      %cond3A_86 = arith.constant 0 : i32
      %cond3A_87 = arith.cmpi ne, %convert_element_type3A_85, %cond3A_86 : i32
      scf.if %cond3A_87 {
        %dma_start3A_88 = arith.constant 0 : i32
        %dma_start3A_89 = tpu.memref_slice %arg6[%add3A_82, %dma_start3A_88] : memref<40x128xi32, #tpu.memory_space<vmem>> -> memref<1x128xi32, #tpu.memory_space<vmem>>
        %dma_start3A_90 = tpu.memref_squeeze %dma_start3A_89 : memref<1x128xi32, #tpu.memory_space<vmem>> -> memref<128xi32, #tpu.memory_space<vmem>>
        %dma_start3A_91 = arith.constant 0 : i32
        %dma_start3A_92 = arith.constant 0 : i32
        %dma_start3A_93 = tpu.memref_slice %arg2[%dma_start3A_91, %dma_start3A_92] : memref<10240x128xf32, #tpu.memory_space<hbm>> -> memref<10240x128xf32, #tpu.memory_space<hbm>>
        tpu.enqueue_indirect_dma source(%dma_start3A_93 : memref<10240x128xf32, #tpu.memory_space<hbm>>) target(%arg9 : memref<128x128xf32, #tpu.memory_space<vmem>>) offsets(%dma_start3A_90 : memref<128xi32, #tpu.memory_space<vmem>>) semaphore(%arg12 : memref<!tpu.dma_semaphore, #tpu.memory_space<semaphore_mem>>)
      } else {
      }
    }
    %scan3A_52 = arith.constant 20 : i32
    %barrier3A_53 = arith.constant 0 : index
    tpu.barrier barrier_id(%barrier3A_53)
    %mul3A_54 = arith.constant 640 : i32
    %mul3A_55 = arith.muli %arg1, %mul3A_54 : i32
    %mul3A_56 = arith.constant 640 : i32
    %mul3A_57 = arith.muli %arg1, %mul3A_56 : i32
    "tpu.region"() ({
      %run_scoped3A_58 = tpu.sem_alloc : memref<!tpu.dma_semaphore, #tpu.memory_space<semaphore_mem>>
      %dma_start3A_59 = arith.constant 0 : i32
      %dma_start3A_60 = tpu.memref_slice %arg5[%arg0, %mul3A_57, %dma_start3A_59] : memref<2x10240x128xf32, #tpu.memory_space<hbm>> -> memref<1x640x128xf32, #tpu.memory_space<hbm>>
      %dma_start3A_61 = tpu.memref_squeeze %dma_start3A_60 : memref<1x640x128xf32, #tpu.memory_space<hbm>> -> memref<640x128xf32, #tpu.memory_space<hbm>>
      %dma_start3A_62 = arith.constant 0 : i32
      %dma_start3A_63 = tpu.memref_slice %arg10[%mul3A_55, %dma_start3A_62] : memref<10240x128xf32, #tpu.memory_space<vmem_shared>> -> memref<640x128xf32, #tpu.memory_space<vmem_shared>>
      tpu.enqueue_dma source(%dma_start3A_63 : memref<640x128xf32, #tpu.memory_space<vmem_shared>>) target(%dma_start3A_61 : memref<640x128xf32, #tpu.memory_space<hbm>>) target_semaphore(%run_scoped3A_58 : memref<!tpu.dma_semaphore, #tpu.memory_space<semaphore_mem>>)
      %dma_wait3A_64 = arith.constant 0 : i32
      %dma_wait3A_65 = tpu.memref_slice %arg5[%arg0, %mul3A_57, %dma_wait3A_64] : memref<2x10240x128xf32, #tpu.memory_space<hbm>> -> memref<1x640x128xf32, #tpu.memory_space<hbm>>
      %dma_wait3A_66 = tpu.memref_squeeze %dma_wait3A_65 : memref<1x640x128xf32, #tpu.memory_space<hbm>> -> memref<640x128xf32, #tpu.memory_space<hbm>>
      %dma_wait3A_67 = arith.constant 0 : i32
      %dma_wait3A_68 = tpu.memref_slice %arg10[%mul3A_55, %dma_wait3A_67] : memref<10240x128xf32, #tpu.memory_space<vmem_shared>> -> memref<640x128xf32, #tpu.memory_space<vmem_shared>>
      tpu.wait_dma2 semaphore(%run_scoped3A_58 : memref<!tpu.dma_semaphore, #tpu.memory_space<semaphore_mem>>) src(%dma_wait3A_68 : memref<640x128xf32, #tpu.memory_space<vmem_shared>>) dst(%dma_wait3A_66 : memref<640x128xf32, #tpu.memory_space<hbm>>)
      tpu.yield
    }) : () -> ()
    return
  }
}

#map = affine_map<(d0, d1) -> (0, 0, 0, 0)>
#map1 = affine_map<(d0, d1) -> (0, 0)>
module attributes {stable_mosaic.version = 14 : i64} {
  func.func @deg_kernel(%arg0: i32, %arg1: i32, %arg2: memref<2x32x80x128xi32, #tpu.memory_space<hbm>>, %arg3: memref<32x10240xf32, #tpu.memory_space<hbm>>, %arg4: memref<80x128xi32, #tpu.memory_space<vmem>>, %arg5: memref<10240xf32, #tpu.memory_space<vmem>>) attributes {dimension_semantics = [#tpu.dimension_semantics<core_parallel>, #tpu.dimension_semantics<subcore_parallel>], iteration_bounds = array<i64: 2, 16>, scalar_prefetch = 0 : i64, scratch_operands = 2 : i64, tpu.core_type = #tpu.core_type<sc_vector_subcore>, window_params = [{transform_indices = #map}, {transform_indices = #map1}]} {
    %mul3A = arith.constant 2 : i32
    %mul3A_0 = arith.muli %arg1, %mul3A : i32
    %add3A = arith.addi %mul3A_0, %arg0 : i32
    %run_scoped3A = arith.constant 0 : i32
    "tpu.region"() ({
      %run_scoped3A_17 = tpu.sem_alloc : memref<!tpu.dma_semaphore, #tpu.memory_space<semaphore_mem>>
      %dma_start3A = arith.constant 0 : i32
      %dma_start3A_18 = arith.constant 0 : i32
      %dma_start3A_19 = tpu.memref_slice %arg2[%run_scoped3A, %add3A, %dma_start3A, %dma_start3A_18] : memref<2x32x80x128xi32, #tpu.memory_space<hbm>> -> memref<1x1x80x128xi32, #tpu.memory_space<hbm>>
      %dma_start3A_20 = tpu.memref_squeeze %dma_start3A_19 : memref<1x1x80x128xi32, #tpu.memory_space<hbm>> -> memref<80x128xi32, #tpu.memory_space<hbm>>
      %dma_start3A_21 = arith.constant 0 : i32
      %dma_start3A_22 = arith.constant 0 : i32
      %dma_start3A_23 = tpu.memref_slice %arg2[%run_scoped3A, %add3A, %dma_start3A_21, %dma_start3A_22] : memref<2x32x80x128xi32, #tpu.memory_space<hbm>> -> memref<1x1x80x128xi32, #tpu.memory_space<hbm>>
      %dma_start3A_24 = tpu.memref_squeeze %dma_start3A_23 : memref<1x1x80x128xi32, #tpu.memory_space<hbm>> -> memref<80x128xi32, #tpu.memory_space<hbm>>
      tpu.enqueue_dma source(%dma_start3A_24 : memref<80x128xi32, #tpu.memory_space<hbm>>) target(%arg4 : memref<80x128xi32, #tpu.memory_space<vmem>>) target_semaphore(%run_scoped3A_17 : memref<!tpu.dma_semaphore, #tpu.memory_space<semaphore_mem>>)
      %dma_wait3A = arith.constant 0 : i32
      %dma_wait3A_25 = arith.constant 0 : i32
      %dma_wait3A_26 = tpu.memref_slice %arg2[%run_scoped3A, %add3A, %dma_wait3A, %dma_wait3A_25] : memref<2x32x80x128xi32, #tpu.memory_space<hbm>> -> memref<1x1x80x128xi32, #tpu.memory_space<hbm>>
      %dma_wait3A_27 = tpu.memref_squeeze %dma_wait3A_26 : memref<1x1x80x128xi32, #tpu.memory_space<hbm>> -> memref<80x128xi32, #tpu.memory_space<hbm>>
      %dma_wait3A_28 = arith.constant 0 : i32
      %dma_wait3A_29 = arith.constant 0 : i32
      %dma_wait3A_30 = tpu.memref_slice %arg2[%run_scoped3A, %add3A, %dma_wait3A_28, %dma_wait3A_29] : memref<2x32x80x128xi32, #tpu.memory_space<hbm>> -> memref<1x1x80x128xi32, #tpu.memory_space<hbm>>
      %dma_wait3A_31 = tpu.memref_squeeze %dma_wait3A_30 : memref<1x1x80x128xi32, #tpu.memory_space<hbm>> -> memref<80x128xi32, #tpu.memory_space<hbm>>
      tpu.wait_dma2 semaphore(%run_scoped3A_17 : memref<!tpu.dma_semaphore, #tpu.memory_space<semaphore_mem>>) src(%dma_wait3A_31 : memref<80x128xi32, #tpu.memory_space<hbm>>) dst(%arg4 : memref<80x128xi32, #tpu.memory_space<vmem>>)
      tpu.yield
    }) : () -> ()
    %broadcast_in_dim3A = arith.constant 0.000000e+00 : f32
    %broadcast_in_dim3A_1 = vector.broadcast %broadcast_in_dim3A : f32 to vector<16xf32>
    %scan3A = arith.constant 0 : i32
    %scan3A_2 = arith.constant 0 : i32
    %scan3A_3 = arith.constant 640 : i32
    %scan3A_4 = arith.addi %scan3A_2, %scan3A_3 : i32
    %scan3A_5 = arith.constant 8 : i32
    scf.for %scan3A_17 = %scan3A_2 to %scan3A_4 step %scan3A_5  : i32 {
      %mul3A_18 = arith.constant 16 : i32
      %mul3A_19 = arith.muli %scan3A_17, %mul3A_18 : i32
      %swap3A = arith.index_cast %mul3A_19 : i32 to index
      %swap3A_20 = tpu.vector_load %arg5[%swap3A] {strides = array<i32>} : memref<10240xf32, #tpu.memory_space<vmem>>, vector<16xf32>,
      tpu.vector_store %arg5[%swap3A], %broadcast_in_dim3A_1 {strides = array<i32>} : memref<10240xf32, #tpu.memory_space<vmem>>, vector<16xf32>,
      %scan3A_21 = arith.constant 1 : i32
      %scan3A_22 = arith.addi %scan3A_17, %scan3A_21 : i32
      %mul3A_23 = arith.constant 16 : i32
      %mul3A_24 = arith.muli %scan3A_22, %mul3A_23 : i32
      %swap3A_25 = arith.index_cast %mul3A_24 : i32 to index
      %swap3A_26 = tpu.vector_load %arg5[%swap3A_25] {strides = array<i32>} : memref<10240xf32, #tpu.memory_space<vmem>>, vector<16xf32>,
      tpu.vector_store %arg5[%swap3A_25], %broadcast_in_dim3A_1 {strides = array<i32>} : memref<10240xf32, #tpu.memory_space<vmem>>, vector<16xf32>,
      %scan3A_27 = arith.constant 2 : i32
      %scan3A_28 = arith.addi %scan3A_17, %scan3A_27 : i32
      %mul3A_29 = arith.constant 16 : i32
      %mul3A_30 = arith.muli %scan3A_28, %mul3A_29 : i32
      %swap3A_31 = arith.index_cast %mul3A_30 : i32 to index
      %swap3A_32 = tpu.vector_load %arg5[%swap3A_31] {strides = array<i32>} : memref<10240xf32, #tpu.memory_space<vmem>>, vector<16xf32>,
      tpu.vector_store %arg5[%swap3A_31], %broadcast_in_dim3A_1 {strides = array<i32>} : memref<10240xf32, #tpu.memory_space<vmem>>, vector<16xf32>,
      %scan3A_33 = arith.constant 3 : i32
      %scan3A_34 = arith.addi %scan3A_17, %scan3A_33 : i32
      %mul3A_35 = arith.constant 16 : i32
      %mul3A_36 = arith.muli %scan3A_34, %mul3A_35 : i32
      %swap3A_37 = arith.index_cast %mul3A_36 : i32 to index
      %swap3A_38 = tpu.vector_load %arg5[%swap3A_37] {strides = array<i32>} : memref<10240xf32, #tpu.memory_space<vmem>>, vector<16xf32>,
      tpu.vector_store %arg5[%swap3A_37], %broadcast_in_dim3A_1 {strides = array<i32>} : memref<10240xf32, #tpu.memory_space<vmem>>, vector<16xf32>,
      %scan3A_39 = arith.constant 4 : i32
      %scan3A_40 = arith.addi %scan3A_17, %scan3A_39 : i32
      %mul3A_41 = arith.constant 16 : i32
      %mul3A_42 = arith.muli %scan3A_40, %mul3A_41 : i32
      %swap3A_43 = arith.index_cast %mul3A_42 : i32 to index
      %swap3A_44 = tpu.vector_load %arg5[%swap3A_43] {strides = array<i32>} : memref<10240xf32, #tpu.memory_space<vmem>>, vector<16xf32>,
      tpu.vector_store %arg5[%swap3A_43], %broadcast_in_dim3A_1 {strides = array<i32>} : memref<10240xf32, #tpu.memory_space<vmem>>, vector<16xf32>,
      %scan3A_45 = arith.constant 5 : i32
      %scan3A_46 = arith.addi %scan3A_17, %scan3A_45 : i32
      %mul3A_47 = arith.constant 16 : i32
      %mul3A_48 = arith.muli %scan3A_46, %mul3A_47 : i32
      %swap3A_49 = arith.index_cast %mul3A_48 : i32 to index
      %swap3A_50 = tpu.vector_load %arg5[%swap3A_49] {strides = array<i32>} : memref<10240xf32, #tpu.memory_space<vmem>>, vector<16xf32>,
      tpu.vector_store %arg5[%swap3A_49], %broadcast_in_dim3A_1 {strides = array<i32>} : memref<10240xf32, #tpu.memory_space<vmem>>, vector<16xf32>,
      %scan3A_51 = arith.constant 6 : i32
      %scan3A_52 = arith.addi %scan3A_17, %scan3A_51 : i32
      %mul3A_53 = arith.constant 16 : i32
      %mul3A_54 = arith.muli %scan3A_52, %mul3A_53 : i32
      %swap3A_55 = arith.index_cast %mul3A_54 : i32 to index
      %swap3A_56 = tpu.vector_load %arg5[%swap3A_55] {strides = array<i32>} : memref<10240xf32, #tpu.memory_space<vmem>>, vector<16xf32>,
      tpu.vector_store %arg5[%swap3A_55], %broadcast_in_dim3A_1 {strides = array<i32>} : memref<10240xf32, #tpu.memory_space<vmem>>, vector<16xf32>,
      %scan3A_57 = arith.constant 7 : i32
      %scan3A_58 = arith.addi %scan3A_17, %scan3A_57 : i32
      %mul3A_59 = arith.constant 16 : i32
      %mul3A_60 = arith.muli %scan3A_58, %mul3A_59 : i32
      %swap3A_61 = arith.index_cast %mul3A_60 : i32 to index
      %swap3A_62 = tpu.vector_load %arg5[%swap3A_61] {strides = array<i32>} : memref<10240xf32, #tpu.memory_space<vmem>>, vector<16xf32>,
      tpu.vector_store %arg5[%swap3A_61], %broadcast_in_dim3A_1 {strides = array<i32>} : memref<10240xf32, #tpu.memory_space<vmem>>, vector<16xf32>,
    }
    %scan3A_6 = arith.constant 640 : i32
    %broadcast_in_dim3A_7 = arith.constant 1.000000e+00 : f32
    %broadcast_in_dim3A_8 = vector.broadcast %broadcast_in_dim3A_7 : f32 to vector<16xf32>
    %iota3A = tpu.iota {dimensions = array<i32: 0>} : vector<16xi32>
    %mul3A_9 = arith.constant 10240 : i32
    %mul3A_10 = arith.muli %add3A, %mul3A_9 : i32
    %scan3A_11 = arith.constant 0 : i32
    %scan3A_12 = arith.constant 0 : i32
    %scan3A_13 = arith.constant 640 : i32
    %scan3A_14 = arith.addi %scan3A_12, %scan3A_13 : i32
    %scan3A_15 = arith.constant 8 : i32
    scf.for %scan3A_17 = %scan3A_12 to %scan3A_14 step %scan3A_15  : i32 {
      %jit3A = arith.constant 8 : i32
      %div3A = arith.divsi %scan3A_17, %jit3A : i32
      %sign3A = arith.constant 0 : i32
      %sign3A_18 = arith.cmpi sgt, %scan3A_17, %sign3A : i32
      %sign3A_19 = arith.extui %sign3A_18 : i1 to i32
      %sign3A_20 = arith.constant 0 : i32
      %sign3A_21 = arith.cmpi slt, %scan3A_17, %sign3A_20 : i32
      %sign3A_22 = arith.extui %sign3A_21 : i1 to i32
      %sign3A_23 = arith.subi %sign3A_19, %sign3A_22 : i32
      %sign3A_24 = arith.constant 0 : i32
      %sign3A_25 = arith.cmpi sgt, %jit3A, %sign3A_24 : i32
      %sign3A_26 = arith.extui %sign3A_25 : i1 to i32
      %sign3A_27 = arith.constant 0 : i32
      %sign3A_28 = arith.cmpi slt, %jit3A, %sign3A_27 : i32
      %sign3A_29 = arith.extui %sign3A_28 : i1 to i32
      %sign3A_30 = arith.subi %sign3A_26, %sign3A_29 : i32
      %ne3A = arith.cmpi ne, %sign3A_23, %sign3A_30 : i32
      %rem3A = arith.remsi %scan3A_17, %jit3A : i32
      %ne3A_31 = arith.constant 0 : i32
      %ne3A_32 = arith.cmpi ne, %rem3A, %ne3A_31 : i32
      %and3A = arith.andi %ne3A, %ne3A_32 : i1
      %sub3A = arith.constant 1 : i32
      %sub3A_33 = arith.subi %div3A, %sub3A : i32
      %select_n3A = arith.select %and3A, %sub3A_33, %div3A : i32
      %jit3A_34 = arith.constant 8 : i32
      %eq3A = arith.constant 0 : i32
      %eq3A_35 = arith.cmpi eq, %jit3A_34, %eq3A : i32
      %jit3A_36 = arith.constant 1 : i32
      %select_n3A_37 = arith.select %eq3A_35, %jit3A_36, %jit3A_34 : i32
      %rem3A_38 = arith.remsi %scan3A_17, %select_n3A_37 : i32
      %ne3A_39 = arith.constant 0 : i32
      %ne3A_40 = arith.cmpi ne, %rem3A_38, %ne3A_39 : i32
      %lt3A = arith.constant 0 : i32
      %lt3A_41 = arith.cmpi slt, %rem3A_38, %lt3A : i32
      %lt3A_42 = arith.constant 0 : i32
      %lt3A_43 = arith.cmpi slt, %select_n3A_37, %lt3A_42 : i32
      %ne3A_44 = arith.xori %lt3A_41, %lt3A_43 : i1
      %and3A_45 = arith.andi %ne3A_44, %ne3A_40 : i1
      %add3A_46 = arith.addi %rem3A_38, %select_n3A_37 : i32
      %select_n3A_47 = arith.select %and3A_45, %add3A_46, %rem3A_38 : i32
      %mul3A_48 = arith.constant 16 : i32
      %mul3A_49 = arith.muli %select_n3A_47, %mul3A_48 : i32
      %get3A = arith.index_cast %select_n3A : i32 to index
      %get3A_50 = arith.index_cast %mul3A_49 : i32 to index
      %get3A_51 = tpu.vector_load %arg4[%get3A, %get3A_50] {strides = array<i32>} : memref<80x128xi32, #tpu.memory_space<vmem>>, vector<16xi32>,
      %mul3A_52 = arith.constant 16 : i32
      %mul3A_53 = arith.muli %scan3A_17, %mul3A_52 : i32
      %add3A_54 = arith.addi %mul3A_10, %mul3A_53 : i32
      %add3A_55 = vector.broadcast %add3A_54 : i32 to vector<16xi32>
      %add3A_56 = arith.addi %add3A_55, %iota3A : vector<16xi32>
      %lt3A_57 = arith.constant 320000 : i32
      %lt3A_58 = vector.broadcast %lt3A_57 : i32 to vector<16xi32>
      %lt3A_59 = arith.cmpi slt, %add3A_56, %lt3A_58 : vector<16xi32>
      tpu.vector_store_idx %arg5[%get3A_51], %broadcast_in_dim3A_8 masked %lt3A_59 {add = true} : memref<10240xf32, #tpu.memory_space<vmem>>[vector<16xi32>], vector<16xf32>, vector<16xi1>
      %scan3A_60 = arith.constant 1 : i32
      %scan3A_61 = arith.addi %scan3A_17, %scan3A_60 : i32
      %jit3A_62 = arith.constant 8 : i32
      %div3A_63 = arith.divsi %scan3A_61, %jit3A_62 : i32
      %sign3A_64 = arith.constant 0 : i32
      %sign3A_65 = arith.cmpi sgt, %scan3A_61, %sign3A_64 : i32
      %sign3A_66 = arith.extui %sign3A_65 : i1 to i32
      %sign3A_67 = arith.constant 0 : i32
      %sign3A_68 = arith.cmpi slt, %scan3A_61, %sign3A_67 : i32
      %sign3A_69 = arith.extui %sign3A_68 : i1 to i32
      %sign3A_70 = arith.subi %sign3A_66, %sign3A_69 : i32
      %sign3A_71 = arith.constant 0 : i32
      %sign3A_72 = arith.cmpi sgt, %jit3A_62, %sign3A_71 : i32
      %sign3A_73 = arith.extui %sign3A_72 : i1 to i32
      %sign3A_74 = arith.constant 0 : i32
      %sign3A_75 = arith.cmpi slt, %jit3A_62, %sign3A_74 : i32
      %sign3A_76 = arith.extui %sign3A_75 : i1 to i32
      %sign3A_77 = arith.subi %sign3A_73, %sign3A_76 : i32
      %ne3A_78 = arith.cmpi ne, %sign3A_70, %sign3A_77 : i32
      %rem3A_79 = arith.remsi %scan3A_61, %jit3A_62 : i32
      %ne3A_80 = arith.constant 0 : i32
      %ne3A_81 = arith.cmpi ne, %rem3A_79, %ne3A_80 : i32
      %and3A_82 = arith.andi %ne3A_78, %ne3A_81 : i1
      %sub3A_83 = arith.constant 1 : i32
      %sub3A_84 = arith.subi %div3A_63, %sub3A_83 : i32
      %select_n3A_85 = arith.select %and3A_82, %sub3A_84, %div3A_63 : i32
      %jit3A_86 = arith.constant 8 : i32
      %eq3A_87 = arith.constant 0 : i32
      %eq3A_88 = arith.cmpi eq, %jit3A_86, %eq3A_87 : i32
      %jit3A_89 = arith.constant 1 : i32
      %select_n3A_90 = arith.select %eq3A_88, %jit3A_89, %jit3A_86 : i32
      %rem3A_91 = arith.remsi %scan3A_61, %select_n3A_90 : i32
      %ne3A_92 = arith.constant 0 : i32
      %ne3A_93 = arith.cmpi ne, %rem3A_91, %ne3A_92 : i32
      %lt3A_94 = arith.constant 0 : i32
      %lt3A_95 = arith.cmpi slt, %rem3A_91, %lt3A_94 : i32
      %lt3A_96 = arith.constant 0 : i32
      %lt3A_97 = arith.cmpi slt, %select_n3A_90, %lt3A_96 : i32
      %ne3A_98 = arith.xori %lt3A_95, %lt3A_97 : i1
      %and3A_99 = arith.andi %ne3A_98, %ne3A_93 : i1
      %add3A_100 = arith.addi %rem3A_91, %select_n3A_90 : i32
      %select_n3A_101 = arith.select %and3A_99, %add3A_100, %rem3A_91 : i32
      %mul3A_102 = arith.constant 16 : i32
      %mul3A_103 = arith.muli %select_n3A_101, %mul3A_102 : i32
      %get3A_104 = arith.index_cast %select_n3A_85 : i32 to index
      %get3A_105 = arith.index_cast %mul3A_103 : i32 to index
      %get3A_106 = tpu.vector_load %arg4[%get3A_104, %get3A_105] {strides = array<i32>} : memref<80x128xi32, #tpu.memory_space<vmem>>, vector<16xi32>,
      %mul3A_107 = arith.constant 16 : i32
      %mul3A_108 = arith.muli %scan3A_61, %mul3A_107 : i32
      %add3A_109 = arith.addi %mul3A_10, %mul3A_108 : i32
      %add3A_110 = vector.broadcast %add3A_109 : i32 to vector<16xi32>
      %add3A_111 = arith.addi %add3A_110, %iota3A : vector<16xi32>
      %lt3A_112 = arith.constant 320000 : i32
      %lt3A_113 = vector.broadcast %lt3A_112 : i32 to vector<16xi32>
      %lt3A_114 = arith.cmpi slt, %add3A_111, %lt3A_113 : vector<16xi32>
      tpu.vector_store_idx %arg5[%get3A_106], %broadcast_in_dim3A_8 masked %lt3A_114 {add = true} : memref<10240xf32, #tpu.memory_space<vmem>>[vector<16xi32>], vector<16xf32>, vector<16xi1>
      %scan3A_115 = arith.constant 2 : i32
      %scan3A_116 = arith.addi %scan3A_17, %scan3A_115 : i32
      %jit3A_117 = arith.constant 8 : i32
      %div3A_118 = arith.divsi %scan3A_116, %jit3A_117 : i32
      %sign3A_119 = arith.constant 0 : i32
      %sign3A_120 = arith.cmpi sgt, %scan3A_116, %sign3A_119 : i32
      %sign3A_121 = arith.extui %sign3A_120 : i1 to i32
      %sign3A_122 = arith.constant 0 : i32
      %sign3A_123 = arith.cmpi slt, %scan3A_116, %sign3A_122 : i32
      %sign3A_124 = arith.extui %sign3A_123 : i1 to i32
      %sign3A_125 = arith.subi %sign3A_121, %sign3A_124 : i32
      %sign3A_126 = arith.constant 0 : i32
      %sign3A_127 = arith.cmpi sgt, %jit3A_117, %sign3A_126 : i32
      %sign3A_128 = arith.extui %sign3A_127 : i1 to i32
      %sign3A_129 = arith.constant 0 : i32
      %sign3A_130 = arith.cmpi slt, %jit3A_117, %sign3A_129 : i32
      %sign3A_131 = arith.extui %sign3A_130 : i1 to i32
      %sign3A_132 = arith.subi %sign3A_128, %sign3A_131 : i32
      %ne3A_133 = arith.cmpi ne, %sign3A_125, %sign3A_132 : i32
      %rem3A_134 = arith.remsi %scan3A_116, %jit3A_117 : i32
      %ne3A_135 = arith.constant 0 : i32
      %ne3A_136 = arith.cmpi ne, %rem3A_134, %ne3A_135 : i32
      %and3A_137 = arith.andi %ne3A_133, %ne3A_136 : i1
      %sub3A_138 = arith.constant 1 : i32
      %sub3A_139 = arith.subi %div3A_118, %sub3A_138 : i32
      %select_n3A_140 = arith.select %and3A_137, %sub3A_139, %div3A_118 : i32
      %jit3A_141 = arith.constant 8 : i32
      %eq3A_142 = arith.constant 0 : i32
      %eq3A_143 = arith.cmpi eq, %jit3A_141, %eq3A_142 : i32
      %jit3A_144 = arith.constant 1 : i32
      %select_n3A_145 = arith.select %eq3A_143, %jit3A_144, %jit3A_141 : i32
      %rem3A_146 = arith.remsi %scan3A_116, %select_n3A_145 : i32
      %ne3A_147 = arith.constant 0 : i32
      %ne3A_148 = arith.cmpi ne, %rem3A_146, %ne3A_147 : i32
      %lt3A_149 = arith.constant 0 : i32
      %lt3A_150 = arith.cmpi slt, %rem3A_146, %lt3A_149 : i32
      %lt3A_151 = arith.constant 0 : i32
      %lt3A_152 = arith.cmpi slt, %select_n3A_145, %lt3A_151 : i32
      %ne3A_153 = arith.xori %lt3A_150, %lt3A_152 : i1
      %and3A_154 = arith.andi %ne3A_153, %ne3A_148 : i1
      %add3A_155 = arith.addi %rem3A_146, %select_n3A_145 : i32
      %select_n3A_156 = arith.select %and3A_154, %add3A_155, %rem3A_146 : i32
      %mul3A_157 = arith.constant 16 : i32
      %mul3A_158 = arith.muli %select_n3A_156, %mul3A_157 : i32
      %get3A_159 = arith.index_cast %select_n3A_140 : i32 to index
      %get3A_160 = arith.index_cast %mul3A_158 : i32 to index
      %get3A_161 = tpu.vector_load %arg4[%get3A_159, %get3A_160] {strides = array<i32>} : memref<80x128xi32, #tpu.memory_space<vmem>>, vector<16xi32>,
      %mul3A_162 = arith.constant 16 : i32
      %mul3A_163 = arith.muli %scan3A_116, %mul3A_162 : i32
      %add3A_164 = arith.addi %mul3A_10, %mul3A_163 : i32
      %add3A_165 = vector.broadcast %add3A_164 : i32 to vector<16xi32>
      %add3A_166 = arith.addi %add3A_165, %iota3A : vector<16xi32>
      %lt3A_167 = arith.constant 320000 : i32
      %lt3A_168 = vector.broadcast %lt3A_167 : i32 to vector<16xi32>
      %lt3A_169 = arith.cmpi slt, %add3A_166, %lt3A_168 : vector<16xi32>
      tpu.vector_store_idx %arg5[%get3A_161], %broadcast_in_dim3A_8 masked %lt3A_169 {add = true} : memref<10240xf32, #tpu.memory_space<vmem>>[vector<16xi32>], vector<16xf32>, vector<16xi1>
      %scan3A_170 = arith.constant 3 : i32
      %scan3A_171 = arith.addi %scan3A_17, %scan3A_170 : i32
      %jit3A_172 = arith.constant 8 : i32
      %div3A_173 = arith.divsi %scan3A_171, %jit3A_172 : i32
      %sign3A_174 = arith.constant 0 : i32
      %sign3A_175 = arith.cmpi sgt, %scan3A_171, %sign3A_174 : i32
      %sign3A_176 = arith.extui %sign3A_175 : i1 to i32
      %sign3A_177 = arith.constant 0 : i32
      %sign3A_178 = arith.cmpi slt, %scan3A_171, %sign3A_177 : i32
      %sign3A_179 = arith.extui %sign3A_178 : i1 to i32
      %sign3A_180 = arith.subi %sign3A_176, %sign3A_179 : i32
      %sign3A_181 = arith.constant 0 : i32
      %sign3A_182 = arith.cmpi sgt, %jit3A_172, %sign3A_181 : i32
      %sign3A_183 = arith.extui %sign3A_182 : i1 to i32
      %sign3A_184 = arith.constant 0 : i32
      %sign3A_185 = arith.cmpi slt, %jit3A_172, %sign3A_184 : i32
      %sign3A_186 = arith.extui %sign3A_185 : i1 to i32
      %sign3A_187 = arith.subi %sign3A_183, %sign3A_186 : i32
      %ne3A_188 = arith.cmpi ne, %sign3A_180, %sign3A_187 : i32
      %rem3A_189 = arith.remsi %scan3A_171, %jit3A_172 : i32
      %ne3A_190 = arith.constant 0 : i32
      %ne3A_191 = arith.cmpi ne, %rem3A_189, %ne3A_190 : i32
      %and3A_192 = arith.andi %ne3A_188, %ne3A_191 : i1
      %sub3A_193 = arith.constant 1 : i32
      %sub3A_194 = arith.subi %div3A_173, %sub3A_193 : i32
      %select_n3A_195 = arith.select %and3A_192, %sub3A_194, %div3A_173 : i32
      %jit3A_196 = arith.constant 8 : i32
      %eq3A_197 = arith.constant 0 : i32
      %eq3A_198 = arith.cmpi eq, %jit3A_196, %eq3A_197 : i32
      %jit3A_199 = arith.constant 1 : i32
      %select_n3A_200 = arith.select %eq3A_198, %jit3A_199, %jit3A_196 : i32
      %rem3A_201 = arith.remsi %scan3A_171, %select_n3A_200 : i32
      %ne3A_202 = arith.constant 0 : i32
      %ne3A_203 = arith.cmpi ne, %rem3A_201, %ne3A_202 : i32
      %lt3A_204 = arith.constant 0 : i32
      %lt3A_205 = arith.cmpi slt, %rem3A_201, %lt3A_204 : i32
      %lt3A_206 = arith.constant 0 : i32
      %lt3A_207 = arith.cmpi slt, %select_n3A_200, %lt3A_206 : i32
      %ne3A_208 = arith.xori %lt3A_205, %lt3A_207 : i1
      %and3A_209 = arith.andi %ne3A_208, %ne3A_203 : i1
      %add3A_210 = arith.addi %rem3A_201, %select_n3A_200 : i32
      %select_n3A_211 = arith.select %and3A_209, %add3A_210, %rem3A_201 : i32
      %mul3A_212 = arith.constant 16 : i32
      %mul3A_213 = arith.muli %select_n3A_211, %mul3A_212 : i32
      %get3A_214 = arith.index_cast %select_n3A_195 : i32 to index
      %get3A_215 = arith.index_cast %mul3A_213 : i32 to index
      %get3A_216 = tpu.vector_load %arg4[%get3A_214, %get3A_215] {strides = array<i32>} : memref<80x128xi32, #tpu.memory_space<vmem>>, vector<16xi32>,
      %mul3A_217 = arith.constant 16 : i32
      %mul3A_218 = arith.muli %scan3A_171, %mul3A_217 : i32
      %add3A_219 = arith.addi %mul3A_10, %mul3A_218 : i32
      %add3A_220 = vector.broadcast %add3A_219 : i32 to vector<16xi32>
      %add3A_221 = arith.addi %add3A_220, %iota3A : vector<16xi32>
      %lt3A_222 = arith.constant 320000 : i32
      %lt3A_223 = vector.broadcast %lt3A_222 : i32 to vector<16xi32>
      %lt3A_224 = arith.cmpi slt, %add3A_221, %lt3A_223 : vector<16xi32>
      tpu.vector_store_idx %arg5[%get3A_216], %broadcast_in_dim3A_8 masked %lt3A_224 {add = true} : memref<10240xf32, #tpu.memory_space<vmem>>[vector<16xi32>], vector<16xf32>, vector<16xi1>
      %scan3A_225 = arith.constant 4 : i32
      %scan3A_226 = arith.addi %scan3A_17, %scan3A_225 : i32
      %jit3A_227 = arith.constant 8 : i32
      %div3A_228 = arith.divsi %scan3A_226, %jit3A_227 : i32
      %sign3A_229 = arith.constant 0 : i32
      %sign3A_230 = arith.cmpi sgt, %scan3A_226, %sign3A_229 : i32
      %sign3A_231 = arith.extui %sign3A_230 : i1 to i32
      %sign3A_232 = arith.constant 0 : i32
      %sign3A_233 = arith.cmpi slt, %scan3A_226, %sign3A_232 : i32
      %sign3A_234 = arith.extui %sign3A_233 : i1 to i32
      %sign3A_235 = arith.subi %sign3A_231, %sign3A_234 : i32
      %sign3A_236 = arith.constant 0 : i32
      %sign3A_237 = arith.cmpi sgt, %jit3A_227, %sign3A_236 : i32
      %sign3A_238 = arith.extui %sign3A_237 : i1 to i32
      %sign3A_239 = arith.constant 0 : i32
      %sign3A_240 = arith.cmpi slt, %jit3A_227, %sign3A_239 : i32
      %sign3A_241 = arith.extui %sign3A_240 : i1 to i32
      %sign3A_242 = arith.subi %sign3A_238, %sign3A_241 : i32
      %ne3A_243 = arith.cmpi ne, %sign3A_235, %sign3A_242 : i32
      %rem3A_244 = arith.remsi %scan3A_226, %jit3A_227 : i32
      %ne3A_245 = arith.constant 0 : i32
      %ne3A_246 = arith.cmpi ne, %rem3A_244, %ne3A_245 : i32
      %and3A_247 = arith.andi %ne3A_243, %ne3A_246 : i1
      %sub3A_248 = arith.constant 1 : i32
      %sub3A_249 = arith.subi %div3A_228, %sub3A_248 : i32
      %select_n3A_250 = arith.select %and3A_247, %sub3A_249, %div3A_228 : i32
      %jit3A_251 = arith.constant 8 : i32
      %eq3A_252 = arith.constant 0 : i32
      %eq3A_253 = arith.cmpi eq, %jit3A_251, %eq3A_252 : i32
      %jit3A_254 = arith.constant 1 : i32
      %select_n3A_255 = arith.select %eq3A_253, %jit3A_254, %jit3A_251 : i32
      %rem3A_256 = arith.remsi %scan3A_226, %select_n3A_255 : i32
      %ne3A_257 = arith.constant 0 : i32
      %ne3A_258 = arith.cmpi ne, %rem3A_256, %ne3A_257 : i32
      %lt3A_259 = arith.constant 0 : i32
      %lt3A_260 = arith.cmpi slt, %rem3A_256, %lt3A_259 : i32
      %lt3A_261 = arith.constant 0 : i32
      %lt3A_262 = arith.cmpi slt, %select_n3A_255, %lt3A_261 : i32
      %ne3A_263 = arith.xori %lt3A_260, %lt3A_262 : i1
      %and3A_264 = arith.andi %ne3A_263, %ne3A_258 : i1
      %add3A_265 = arith.addi %rem3A_256, %select_n3A_255 : i32
      %select_n3A_266 = arith.select %and3A_264, %add3A_265, %rem3A_256 : i32
      %mul3A_267 = arith.constant 16 : i32
      %mul3A_268 = arith.muli %select_n3A_266, %mul3A_267 : i32
      %get3A_269 = arith.index_cast %select_n3A_250 : i32 to index
      %get3A_270 = arith.index_cast %mul3A_268 : i32 to index
      %get3A_271 = tpu.vector_load %arg4[%get3A_269, %get3A_270] {strides = array<i32>} : memref<80x128xi32, #tpu.memory_space<vmem>>, vector<16xi32>,
      %mul3A_272 = arith.constant 16 : i32
      %mul3A_273 = arith.muli %scan3A_226, %mul3A_272 : i32
      %add3A_274 = arith.addi %mul3A_10, %mul3A_273 : i32
      %add3A_275 = vector.broadcast %add3A_274 : i32 to vector<16xi32>
      %add3A_276 = arith.addi %add3A_275, %iota3A : vector<16xi32>
      %lt3A_277 = arith.constant 320000 : i32
      %lt3A_278 = vector.broadcast %lt3A_277 : i32 to vector<16xi32>
      %lt3A_279 = arith.cmpi slt, %add3A_276, %lt3A_278 : vector<16xi32>
      tpu.vector_store_idx %arg5[%get3A_271], %broadcast_in_dim3A_8 masked %lt3A_279 {add = true} : memref<10240xf32, #tpu.memory_space<vmem>>[vector<16xi32>], vector<16xf32>, vector<16xi1>
      %scan3A_280 = arith.constant 5 : i32
      %scan3A_281 = arith.addi %scan3A_17, %scan3A_280 : i32
      %jit3A_282 = arith.constant 8 : i32
      %div3A_283 = arith.divsi %scan3A_281, %jit3A_282 : i32
      %sign3A_284 = arith.constant 0 : i32
      %sign3A_285 = arith.cmpi sgt, %scan3A_281, %sign3A_284 : i32
      %sign3A_286 = arith.extui %sign3A_285 : i1 to i32
      %sign3A_287 = arith.constant 0 : i32
      %sign3A_288 = arith.cmpi slt, %scan3A_281, %sign3A_287 : i32
      %sign3A_289 = arith.extui %sign3A_288 : i1 to i32
      %sign3A_290 = arith.subi %sign3A_286, %sign3A_289 : i32
      %sign3A_291 = arith.constant 0 : i32
      %sign3A_292 = arith.cmpi sgt, %jit3A_282, %sign3A_291 : i32
      %sign3A_293 = arith.extui %sign3A_292 : i1 to i32
      %sign3A_294 = arith.constant 0 : i32
      %sign3A_295 = arith.cmpi slt, %jit3A_282, %sign3A_294 : i32
      %sign3A_296 = arith.extui %sign3A_295 : i1 to i32
      %sign3A_297 = arith.subi %sign3A_293, %sign3A_296 : i32
      %ne3A_298 = arith.cmpi ne, %sign3A_290, %sign3A_297 : i32
      %rem3A_299 = arith.remsi %scan3A_281, %jit3A_282 : i32
      %ne3A_300 = arith.constant 0 : i32
      %ne3A_301 = arith.cmpi ne, %rem3A_299, %ne3A_300 : i32
      %and3A_302 = arith.andi %ne3A_298, %ne3A_301 : i1
      %sub3A_303 = arith.constant 1 : i32
      %sub3A_304 = arith.subi %div3A_283, %sub3A_303 : i32
      %select_n3A_305 = arith.select %and3A_302, %sub3A_304, %div3A_283 : i32
      %jit3A_306 = arith.constant 8 : i32
      %eq3A_307 = arith.constant 0 : i32
      %eq3A_308 = arith.cmpi eq, %jit3A_306, %eq3A_307 : i32
      %jit3A_309 = arith.constant 1 : i32
      %select_n3A_310 = arith.select %eq3A_308, %jit3A_309, %jit3A_306 : i32
      %rem3A_311 = arith.remsi %scan3A_281, %select_n3A_310 : i32
      %ne3A_312 = arith.constant 0 : i32
      %ne3A_313 = arith.cmpi ne, %rem3A_311, %ne3A_312 : i32
      %lt3A_314 = arith.constant 0 : i32
      %lt3A_315 = arith.cmpi slt, %rem3A_311, %lt3A_314 : i32
      %lt3A_316 = arith.constant 0 : i32
      %lt3A_317 = arith.cmpi slt, %select_n3A_310, %lt3A_316 : i32
      %ne3A_318 = arith.xori %lt3A_315, %lt3A_317 : i1
      %and3A_319 = arith.andi %ne3A_318, %ne3A_313 : i1
      %add3A_320 = arith.addi %rem3A_311, %select_n3A_310 : i32
      %select_n3A_321 = arith.select %and3A_319, %add3A_320, %rem3A_311 : i32
      %mul3A_322 = arith.constant 16 : i32
      %mul3A_323 = arith.muli %select_n3A_321, %mul3A_322 : i32
      %get3A_324 = arith.index_cast %select_n3A_305 : i32 to index
      %get3A_325 = arith.index_cast %mul3A_323 : i32 to index
      %get3A_326 = tpu.vector_load %arg4[%get3A_324, %get3A_325] {strides = array<i32>} : memref<80x128xi32, #tpu.memory_space<vmem>>, vector<16xi32>,
      %mul3A_327 = arith.constant 16 : i32
      %mul3A_328 = arith.muli %scan3A_281, %mul3A_327 : i32
      %add3A_329 = arith.addi %mul3A_10, %mul3A_328 : i32
      %add3A_330 = vector.broadcast %add3A_329 : i32 to vector<16xi32>
      %add3A_331 = arith.addi %add3A_330, %iota3A : vector<16xi32>
      %lt3A_332 = arith.constant 320000 : i32
      %lt3A_333 = vector.broadcast %lt3A_332 : i32 to vector<16xi32>
      %lt3A_334 = arith.cmpi slt, %add3A_331, %lt3A_333 : vector<16xi32>
      tpu.vector_store_idx %arg5[%get3A_326], %broadcast_in_dim3A_8 masked %lt3A_334 {add = true} : memref<10240xf32, #tpu.memory_space<vmem>>[vector<16xi32>], vector<16xf32>, vector<16xi1>
      %scan3A_335 = arith.constant 6 : i32
      %scan3A_336 = arith.addi %scan3A_17, %scan3A_335 : i32
      %jit3A_337 = arith.constant 8 : i32
      %div3A_338 = arith.divsi %scan3A_336, %jit3A_337 : i32
      %sign3A_339 = arith.constant 0 : i32
      %sign3A_340 = arith.cmpi sgt, %scan3A_336, %sign3A_339 : i32
      %sign3A_341 = arith.extui %sign3A_340 : i1 to i32
      %sign3A_342 = arith.constant 0 : i32
      %sign3A_343 = arith.cmpi slt, %scan3A_336, %sign3A_342 : i32
      %sign3A_344 = arith.extui %sign3A_343 : i1 to i32
      %sign3A_345 = arith.subi %sign3A_341, %sign3A_344 : i32
      %sign3A_346 = arith.constant 0 : i32
      %sign3A_347 = arith.cmpi sgt, %jit3A_337, %sign3A_346 : i32
      %sign3A_348 = arith.extui %sign3A_347 : i1 to i32
      %sign3A_349 = arith.constant 0 : i32
      %sign3A_350 = arith.cmpi slt, %jit3A_337, %sign3A_349 : i32
      %sign3A_351 = arith.extui %sign3A_350 : i1 to i32
      %sign3A_352 = arith.subi %sign3A_348, %sign3A_351 : i32
      %ne3A_353 = arith.cmpi ne, %sign3A_345, %sign3A_352 : i32
      %rem3A_354 = arith.remsi %scan3A_336, %jit3A_337 : i32
      %ne3A_355 = arith.constant 0 : i32
      %ne3A_356 = arith.cmpi ne, %rem3A_354, %ne3A_355 : i32
      %and3A_357 = arith.andi %ne3A_353, %ne3A_356 : i1
      %sub3A_358 = arith.constant 1 : i32
      %sub3A_359 = arith.subi %div3A_338, %sub3A_358 : i32
      %select_n3A_360 = arith.select %and3A_357, %sub3A_359, %div3A_338 : i32
      %jit3A_361 = arith.constant 8 : i32
      %eq3A_362 = arith.constant 0 : i32
      %eq3A_363 = arith.cmpi eq, %jit3A_361, %eq3A_362 : i32
      %jit3A_364 = arith.constant 1 : i32
      %select_n3A_365 = arith.select %eq3A_363, %jit3A_364, %jit3A_361 : i32
      %rem3A_366 = arith.remsi %scan3A_336, %select_n3A_365 : i32
      %ne3A_367 = arith.constant 0 : i32
      %ne3A_368 = arith.cmpi ne, %rem3A_366, %ne3A_367 : i32
      %lt3A_369 = arith.constant 0 : i32
      %lt3A_370 = arith.cmpi slt, %rem3A_366, %lt3A_369 : i32
      %lt3A_371 = arith.constant 0 : i32
      %lt3A_372 = arith.cmpi slt, %select_n3A_365, %lt3A_371 : i32
      %ne3A_373 = arith.xori %lt3A_370, %lt3A_372 : i1
      %and3A_374 = arith.andi %ne3A_373, %ne3A_368 : i1
      %add3A_375 = arith.addi %rem3A_366, %select_n3A_365 : i32
      %select_n3A_376 = arith.select %and3A_374, %add3A_375, %rem3A_366 : i32
      %mul3A_377 = arith.constant 16 : i32
      %mul3A_378 = arith.muli %select_n3A_376, %mul3A_377 : i32
      %get3A_379 = arith.index_cast %select_n3A_360 : i32 to index
      %get3A_380 = arith.index_cast %mul3A_378 : i32 to index
      %get3A_381 = tpu.vector_load %arg4[%get3A_379, %get3A_380] {strides = array<i32>} : memref<80x128xi32, #tpu.memory_space<vmem>>, vector<16xi32>,
      %mul3A_382 = arith.constant 16 : i32
      %mul3A_383 = arith.muli %scan3A_336, %mul3A_382 : i32
      %add3A_384 = arith.addi %mul3A_10, %mul3A_383 : i32
      %add3A_385 = vector.broadcast %add3A_384 : i32 to vector<16xi32>
      %add3A_386 = arith.addi %add3A_385, %iota3A : vector<16xi32>
      %lt3A_387 = arith.constant 320000 : i32
      %lt3A_388 = vector.broadcast %lt3A_387 : i32 to vector<16xi32>
      %lt3A_389 = arith.cmpi slt, %add3A_386, %lt3A_388 : vector<16xi32>
      tpu.vector_store_idx %arg5[%get3A_381], %broadcast_in_dim3A_8 masked %lt3A_389 {add = true} : memref<10240xf32, #tpu.memory_space<vmem>>[vector<16xi32>], vector<16xf32>, vector<16xi1>
      %scan3A_390 = arith.constant 7 : i32
      %scan3A_391 = arith.addi %scan3A_17, %scan3A_390 : i32
      %jit3A_392 = arith.constant 8 : i32
      %div3A_393 = arith.divsi %scan3A_391, %jit3A_392 : i32
      %sign3A_394 = arith.constant 0 : i32
      %sign3A_395 = arith.cmpi sgt, %scan3A_391, %sign3A_394 : i32
      %sign3A_396 = arith.extui %sign3A_395 : i1 to i32
      %sign3A_397 = arith.constant 0 : i32
      %sign3A_398 = arith.cmpi slt, %scan3A_391, %sign3A_397 : i32
      %sign3A_399 = arith.extui %sign3A_398 : i1 to i32
      %sign3A_400 = arith.subi %sign3A_396, %sign3A_399 : i32
      %sign3A_401 = arith.constant 0 : i32
      %sign3A_402 = arith.cmpi sgt, %jit3A_392, %sign3A_401 : i32
      %sign3A_403 = arith.extui %sign3A_402 : i1 to i32
      %sign3A_404 = arith.constant 0 : i32
      %sign3A_405 = arith.cmpi slt, %jit3A_392, %sign3A_404 : i32
      %sign3A_406 = arith.extui %sign3A_405 : i1 to i32
      %sign3A_407 = arith.subi %sign3A_403, %sign3A_406 : i32
      %ne3A_408 = arith.cmpi ne, %sign3A_400, %sign3A_407 : i32
      %rem3A_409 = arith.remsi %scan3A_391, %jit3A_392 : i32
      %ne3A_410 = arith.constant 0 : i32
      %ne3A_411 = arith.cmpi ne, %rem3A_409, %ne3A_410 : i32
      %and3A_412 = arith.andi %ne3A_408, %ne3A_411 : i1
      %sub3A_413 = arith.constant 1 : i32
      %sub3A_414 = arith.subi %div3A_393, %sub3A_413 : i32
      %select_n3A_415 = arith.select %and3A_412, %sub3A_414, %div3A_393 : i32
      %jit3A_416 = arith.constant 8 : i32
      %eq3A_417 = arith.constant 0 : i32
      %eq3A_418 = arith.cmpi eq, %jit3A_416, %eq3A_417 : i32
      %jit3A_419 = arith.constant 1 : i32
      %select_n3A_420 = arith.select %eq3A_418, %jit3A_419, %jit3A_416 : i32
      %rem3A_421 = arith.remsi %scan3A_391, %select_n3A_420 : i32
      %ne3A_422 = arith.constant 0 : i32
      %ne3A_423 = arith.cmpi ne, %rem3A_421, %ne3A_422 : i32
      %lt3A_424 = arith.constant 0 : i32
      %lt3A_425 = arith.cmpi slt, %rem3A_421, %lt3A_424 : i32
      %lt3A_426 = arith.constant 0 : i32
      %lt3A_427 = arith.cmpi slt, %select_n3A_420, %lt3A_426 : i32
      %ne3A_428 = arith.xori %lt3A_425, %lt3A_427 : i1
      %and3A_429 = arith.andi %ne3A_428, %ne3A_423 : i1
      %add3A_430 = arith.addi %rem3A_421, %select_n3A_420 : i32
      %select_n3A_431 = arith.select %and3A_429, %add3A_430, %rem3A_421 : i32
      %mul3A_432 = arith.constant 16 : i32
      %mul3A_433 = arith.muli %select_n3A_431, %mul3A_432 : i32
      %get3A_434 = arith.index_cast %select_n3A_415 : i32 to index
      %get3A_435 = arith.index_cast %mul3A_433 : i32 to index
      %get3A_436 = tpu.vector_load %arg4[%get3A_434, %get3A_435] {strides = array<i32>} : memref<80x128xi32, #tpu.memory_space<vmem>>, vector<16xi32>,
      %mul3A_437 = arith.constant 16 : i32
      %mul3A_438 = arith.muli %scan3A_391, %mul3A_437 : i32
      %add3A_439 = arith.addi %mul3A_10, %mul3A_438 : i32
      %add3A_440 = vector.broadcast %add3A_439 : i32 to vector<16xi32>
      %add3A_441 = arith.addi %add3A_440, %iota3A : vector<16xi32>
      %lt3A_442 = arith.constant 320000 : i32
      %lt3A_443 = vector.broadcast %lt3A_442 : i32 to vector<16xi32>
      %lt3A_444 = arith.cmpi slt, %add3A_441, %lt3A_443 : vector<16xi32>
      tpu.vector_store_idx %arg5[%get3A_436], %broadcast_in_dim3A_8 masked %lt3A_444 {add = true} : memref<10240xf32, #tpu.memory_space<vmem>>[vector<16xi32>], vector<16xf32>, vector<16xi1>
    }
    %scan3A_16 = arith.constant 640 : i32
    "tpu.region"() ({
      %run_scoped3A_17 = tpu.sem_alloc : memref<!tpu.dma_semaphore, #tpu.memory_space<semaphore_mem>>
      %dma_start3A = arith.constant 0 : i32
      %dma_start3A_18 = tpu.memref_slice %arg3[%add3A, %dma_start3A] : memref<32x10240xf32, #tpu.memory_space<hbm>> -> memref<1x10240xf32, #tpu.memory_space<hbm>>
      %dma_start3A_19 = tpu.memref_squeeze %dma_start3A_18 : memref<1x10240xf32, #tpu.memory_space<hbm>> -> memref<10240xf32, #tpu.memory_space<hbm>>
      %dma_start3A_20 = arith.constant 0 : i32
      %dma_start3A_21 = tpu.memref_slice %arg3[%add3A, %dma_start3A_20] : memref<32x10240xf32, #tpu.memory_space<hbm>> -> memref<1x10240xf32, #tpu.memory_space<hbm>>
      %dma_start3A_22 = tpu.memref_squeeze %dma_start3A_21 : memref<1x10240xf32, #tpu.memory_space<hbm>> -> memref<10240xf32, #tpu.memory_space<hbm>>
      tpu.enqueue_dma source(%arg5 : memref<10240xf32, #tpu.memory_space<vmem>>) target(%dma_start3A_22 : memref<10240xf32, #tpu.memory_space<hbm>>) target_semaphore(%run_scoped3A_17 : memref<!tpu.dma_semaphore, #tpu.memory_space<semaphore_mem>>)
      %dma_wait3A = arith.constant 0 : i32
      %dma_wait3A_23 = tpu.memref_slice %arg3[%add3A, %dma_wait3A] : memref<32x10240xf32, #tpu.memory_space<hbm>> -> memref<1x10240xf32, #tpu.memory_space<hbm>>
      %dma_wait3A_24 = tpu.memref_squeeze %dma_wait3A_23 : memref<1x10240xf32, #tpu.memory_space<hbm>> -> memref<10240xf32, #tpu.memory_space<hbm>>
      %dma_wait3A_25 = arith.constant 0 : i32
      %dma_wait3A_26 = tpu.memref_slice %arg3[%add3A, %dma_wait3A_25] : memref<32x10240xf32, #tpu.memory_space<hbm>> -> memref<1x10240xf32, #tpu.memory_space<hbm>>
      %dma_wait3A_27 = tpu.memref_squeeze %dma_wait3A_26 : memref<1x10240xf32, #tpu.memory_space<hbm>> -> memref<10240xf32, #tpu.memory_space<hbm>>
      tpu.wait_dma2 semaphore(%run_scoped3A_17 : memref<!tpu.dma_semaphore, #tpu.memory_space<semaphore_mem>>) src(%arg5 : memref<10240xf32, #tpu.memory_space<vmem>>) dst(%dma_wait3A_27 : memref<10240xf32, #tpu.memory_space<hbm>>)
      tpu.yield
    }) : () -> ()
    return
  }
}

module attributes {stable_mosaic.version = 14 : i64} {
  func.func @_prep_body(%arg0: memref<32x10240xf32, #tpu.memory_space<vmem>>, %arg1: memref<10000x128xf32, #tpu.memory_space<vmem>>, %arg2: memref<128x128xf32, #tpu.memory_space<vmem>>, %arg3: memref<10240x128xf32, #tpu.memory_space<vmem>>, %arg4: memref<10240xf32, #tpu.memory_space<vmem>>) attributes {dimension_semantics = [], scalar_prefetch = 0 : i64, scratch_operands = 0 : i64, tpu.core_type = #tpu.core_type<tc>} {
    %get3A = arith.constant 0 : index
    %get3A_0 = arith.constant 0 : index
    %get3A_1 = vector.load %arg0[%get3A, %get3A_0] : memref<32x10240xf32, #tpu.memory_space<vmem>>, vector<32x10240xf32>
    %reduce_sum3A = arith.constant dense<0.000000e+00> : vector<10240xf32>
    %reduce_sum3A_2 = vector.multi_reduction <add>, %get3A_1, %reduce_sum3A [0] : vector<32x10240xf32> to vector<10240xf32>
    %gt3A = arith.constant 0.000000e+00 : f32
    %gt3A_3 = vector.broadcast %gt3A : f32 to vector<10240xf32>
    %gt3A_4 = arith.cmpf ogt, %reduce_sum3A_2, %gt3A_3 : vector<10240xf32>
    %rsqrt3A = math.rsqrt %reduce_sum3A_2 : vector<10240xf32>
    %jit3A = arith.constant 0.000000e+00 : f32
    %broadcast_in_dim3A = vector.broadcast %jit3A : f32 to vector<10240xf32>
    %select_n3A = arith.select %gt3A_4, %rsqrt3A, %broadcast_in_dim3A : vector<10240xi1>, vector<10240xf32>
    %swap3A = arith.constant 0 : index
    %swap3A_5 = vector.load %arg4[%swap3A] : memref<10240xf32, #tpu.memory_space<vmem>>, vector<10240xf32>
    tpu.vector_store %arg4[%swap3A], %select_n3A {strides = array<i32>} : memref<10240xf32, #tpu.memory_space<vmem>>, vector<10240xf32>,
    %get3A_6 = arith.constant 0 : index
    %get3A_7 = arith.constant 0 : index
    %get3A_8 = vector.load %arg1[%get3A_6, %get3A_7] : memref<10000x128xf32, #tpu.memory_space<vmem>>, vector<10000x128xf32>
    %get3A_9 = arith.constant 0 : index
    %get3A_10 = arith.constant 0 : index
    %get3A_11 = vector.load %arg2[%get3A_9, %get3A_10] : memref<128x128xf32, #tpu.memory_space<vmem>>, vector<128x128xf32>
    %dot_general3A = arith.constant dense<0.000000e+00> : vector<10000x128xf32>
    %dot_general3A_12 = tpu.matmul %get3A_8, %get3A_11, %dot_general3A {dimension_numbers = #tpu.dot_dimension_numbers<[1], [1], [0], [0], [0, 0, 1, 0], [], []>, transpose_lhs_hint = false} : vector<10000x128xf32>, vector<128x128xf32>, vector<10000x128xf32> -> vector<10000x128xf32>
    %slice3A = vector.extract_strided_slice %select_n3A {offsets = [0], sizes = [10000], strides = [1]} : vector<10240xf32> to vector<10000xf32>
    %broadcast_in_dim3A_13 = vector.shape_cast %slice3A : vector<10000xf32> to vector<10000x1xf32>
    %mul3A = vector.broadcast %broadcast_in_dim3A_13 : vector<10000x1xf32> to vector<10000x128xf32>
    %mul3A_14 = arith.mulf %mul3A, %dot_general3A_12 : vector<10000x128xf32>
    %swap3A_15 = arith.constant 0 : index
    %swap3A_16 = arith.constant 0 : index
    %swap3A_17 = vector.load %arg3[%swap3A_15, %swap3A_16] : memref<10240x128xf32, #tpu.memory_space<vmem>>, vector<10000x128xf32>
    tpu.vector_store %arg3[%swap3A_15, %swap3A_16], %mul3A_14 {strides = array<i32>} : memref<10240x128xf32, #tpu.memory_space<vmem>>, vector<10000x128xf32>,
    %broadcast_in_dim3A_18 = arith.constant 0.000000e+00 : f32
    %broadcast_in_dim3A_19 = vector.broadcast %broadcast_in_dim3A_18 : f32 to vector<240x128xf32>
    %swap3A_20 = arith.constant 10000 : index
    %swap3A_21 = arith.constant 0 : index
    %swap3A_22 = vector.load %arg3[%swap3A_20, %swap3A_21] : memref<10240x128xf32, #tpu.memory_space<vmem>>, vector<240x128xf32>
    tpu.vector_store %arg3[%swap3A_20, %swap3A_21], %broadcast_in_dim3A_19 {strides = array<i32>} : memref<10240x128xf32, #tpu.memory_space<vmem>>, vector<240x128xf32>,
    return
  }
}

module attributes {stable_mosaic.version = 14 : i64} {
  func.func @_fin_body(%arg0: memref<2x10240x128xf32, #tpu.memory_space<vmem>>, %arg1: memref<10240xf32, #tpu.memory_space<vmem>>, %arg2: memref<1x128xf32, #tpu.memory_space<vmem>>, %arg3: memref<10000x128xf32, #tpu.memory_space<vmem>>) attributes {dimension_semantics = [], scalar_prefetch = 0 : i64, scratch_operands = 0 : i64, tpu.core_type = #tpu.core_type<tc>} {
    %get3A = arith.constant 0 : index
    %get3A_0 = arith.constant 0 : index
    %get3A_1 = arith.constant 0 : index
    %get3A_2 = vector.load %arg0[%get3A, %get3A_0, %get3A_1] : memref<2x10240x128xf32, #tpu.memory_space<vmem>>, vector<1x10000x128xf32>
    %get3A_3 = vector.shape_cast %get3A_2 : vector<1x10000x128xf32> to vector<10000x128xf32>
    %get3A_4 = arith.constant 1 : index
    %get3A_5 = arith.constant 0 : index
    %get3A_6 = arith.constant 0 : index
    %get3A_7 = vector.load %arg0[%get3A_4, %get3A_5, %get3A_6] : memref<2x10240x128xf32, #tpu.memory_space<vmem>>, vector<1x10000x128xf32>
    %get3A_8 = vector.shape_cast %get3A_7 : vector<1x10000x128xf32> to vector<10000x128xf32>
    %add3A = arith.addf %get3A_3, %get3A_8 : vector<10000x128xf32>
    %get3A_9 = arith.constant 0 : index
    %get3A_10 = vector.load %arg1[%get3A_9] : memref<10240xf32, #tpu.memory_space<vmem>>, vector<10240xf32>
    %slice3A = vector.extract_strided_slice %get3A_10 {offsets = [0], sizes = [10000], strides = [1]} : vector<10240xf32> to vector<10000xf32>
    %broadcast_in_dim3A = vector.shape_cast %slice3A : vector<10000xf32> to vector<10000x1xf32>
    %mul3A = vector.broadcast %broadcast_in_dim3A : vector<10000x1xf32> to vector<10000x128xf32>
    %mul3A_11 = arith.mulf %mul3A, %add3A : vector<10000x128xf32>
    %get3A_12 = arith.constant 0 : index
    %get3A_13 = arith.constant 0 : index
    %get3A_14 = vector.load %arg2[%get3A_12, %get3A_13] : memref<1x128xf32, #tpu.memory_space<vmem>>, vector<1x128xf32>
    %add3A_15 = vector.broadcast %get3A_14 : vector<1x128xf32> to vector<10000x128xf32>
    %add3A_16 = arith.addf %mul3A_11, %add3A_15 : vector<10000x128xf32>
    %max3A = arith.constant 0.000000e+00 : f32
    %max3A_17 = vector.broadcast %max3A : f32 to vector<10000x128xf32>
    %max3A_18 = arith.maximumf %add3A_16, %max3A_17 : vector<10000x128xf32>
    %swap3A = arith.constant 0 : index
    %swap3A_19 = arith.constant 0 : index
    %swap3A_20 = vector.load %arg3[%swap3A, %swap3A_19] : memref<10000x128xf32, #tpu.memory_space<vmem>>, vector<10000x128xf32>
    tpu.vector_store %arg3[%swap3A, %swap3A_19], %max3A_18 {strides = array<i32>} : memref<10000x128xf32, #tpu.memory_space<vmem>>, vector<10000x128xf32>,
    return
  }
}

</mosaic_0001>

<sc_bundles>
// kernel: kernel.6.cloned.1.call-start
scs
__scs_entry_jumppad:
0x0: {  	(pc) =	sbr.rel $0x88, $3  }
0x1: {  	(tag) =	ssettag $0x0;
	lr =	simm.s32 $0x1  }
0x2: {  	[smem:$0x3F9D] =	sst lr;
	_ =	strace $0xD0000000  }
0x3: {  	_ = 	snop  }
0x4: {  	_ = 	snop  }
0x5: {  	_ = 	snop  }
0x6: {  	_ = 	snop  }
0x7: {  	_ = 	snop  }
__scs_overlays_trampoline_lowered:
0x8: {  	[smem:$0x3FAC] =	sst s0  }
0x9: {  	[smem:$0x3FAD] =	sst s1  }
0xa: {  	[smem:$0x3FAE] =	sst s2  }
0xb: {  	[smem:$0x3FAF] =	sst s3  }
0xc: {  	[smem:$0x3FB0] =	sst s4  }
0xd: {  	[smem:$0x3FB1] =	sst s5  }
0xe: {  	[smem:$0x3FB2] =	sst s6  }
0xf: {  	[smem:$0x3FB3] =	sst s7  }
0x10: {  	[smem:$0x3FB4] =	sst s8  }
0x11: {  	[smem:$0x3FB5] =	sst s9;
	s0 =	simm.s32 @!p0 $0x0  }
0x12: {  	s1 =	sld [smem:$0x3F9B];
	s0 =	simm.s32 @p0 $0x1  }
0x13: {  	[smem:$0x3FB6] =	sst s0;
	s0 =	simm.s32 @!p1 $0x0  }
0x14: {  	s2 =	sld [smem:$0x3F9A];
	s0 =	simm.s32 @p1 $0x1  }
0x15: {  	[smem:$0x3FB7] =	sst s0;
	s0 =	simm.s32 @!p2 $0x0  }
0x16: {  	s3 =	sld [smem:$0x3FDB];
	s0 =	simm.s32 @p2 $0x1  }
0x17: {  	s4 =	simm.s32 $0x1BF5;
	[smem:$0x3FB9] =	sst s0  }
0x18: {  	s0 =	sld [smem:$0x3F9C];
	_ =	swait.ge [sflag:s4], $0x0  }
0x19: {  	s7 =	sld [smem:$0x3F9D]  }
0x1a: {  	s8 =	sadd.s32 $0xFFFFE003, lr  }
0x1b: {  	s9 =	sadd.s32 $0xFFFFFEF7, lr;
	s5 =	simm.s32 $0xFFFFFFFF;
	p2 =	slt.u32 s8, $0xFFFFF086  }
0x1c: {  	p1 =	slt.u32 s9, $0xF7A;
	s5 =	simm.s32 @!p2 $0x0  }
0x1d: {  	s5 =	simm.s32 @p1 $0x1;
	p0 =	seq.s32 s7, s2  }
0x1e: {  	s7 =	smul.u32 @!p0 $0xF7A, s2;
	p2 =	seq.s32 @!p0 s5, $0x0  }
0x1f: {  	s9 =	smul.u32 $0xF7A, s1;
	s8 =	simm.s32 @!p0 $0x1BF5;
	p2 =	por !p2, p0  }
0x20: {  	[sflag:s8] =	ssyncset.s32 @!p0 $0xFFFFF086;
	s6 =	sadd.s32 @!p0 s3, s7;
	s7 =	simm.s32 @!p0 $0x108  }
0x21: {  	s3 =	sadd.s32 s3, s9;
	s6 =	sadd.s32 @!p0 $0x88, s6;
	s7 =	simm.s32 @p2 $0x1082  }
0x22: {  	[simem:s7], [sflag:s8] =	dma.local @!p0 [hbm:s6], $0xF7A  }
0x23: {  	s9 =	sor.u32 $0xD0000000, s2;
	s6 =	simm.s32 $0x108;
	_ =	swait.ge @!p0 [sflag:s8], $0x0  }
0x24: {  	s3 =	sadd.s32 $0x88, s3;
	s6 =	simm.s32 @!p1 $0x1082;
	[sflag:s4] =	ssyncset.s32 $0xFFFFF086  }
0x25: {  	[simem:s6], [sflag:s4] =	dma.local [hbm:s3], $0xF7A  }
0x26: {  	[smem:$0x3F9D] =	sst s1;
	(tag) =	ssettag s2;
	_ =	strace s9  }
0x27: {  	s1 =	sld [smem:$0x3FAD]  }
0x28: {  	s2 =	sld [smem:$0x3FAE]  }
0x29: {  	s4 =	sld [smem:$0x3FB0]  }
0x2a: {  	p0 =	seq.s32 s5, $0x0;
	s5 =	sld [smem:$0x3FB1]  }
0x2b: {  	s6 =	sld [smem:$0x3FB2]  }
0x2c: {  	s7 =	sld [smem:$0x3FB3]  }
0x2d: {  	s3 =	simm.s32 $0x108;
	s8 =	sld [smem:$0x3FB4]  }
0x2e: {  	s3 =	simm.s32 @!p0 $0x1082;
	s9 =	sld [smem:$0x3FB5]  }
0x2f: {  	lr =	sadd.s32 s0, s3;
	s0 =	sld [smem:$0x3FAC]  }
0x30: {  	s3 =	sld [smem:$0x3FAF]  }
0x31: {  	[smem:$0x3FB8] =	sst s10  }
0x32: {  	s10 =	sld [smem:$0x3FB6];
	_ =	sdelay $0x3  }
0x33: {  	p0 =	seq.s32 s10, $0x1;
	s10 =	sld [smem:$0x3FB8];
	_ =	sdelay $0x3  }
0x34: {  	[smem:$0x3FB8] =	sst s10  }
0x35: {  	s10 =	sld [smem:$0x3FB7];
	_ =	sdelay $0x3  }
0x36: {  	p1 =	seq.s32 s10, $0x1;
	s10 =	sld [smem:$0x3FB8];
	_ =	sdelay $0x3  }
0x37: {  	[smem:$0x3FB8] =	sst s10  }
0x38: {  	s10 =	sld [smem:$0x3FB9]  }
0x39: {  	_ = 	snop;
	(pc) =	sbr.ind lr, $3  }
0x3a: {  	_ = 	snop  }
0x3b: {  	_ = 	snop  }
0x3c: {  	p2 =	seq.s32 s10, $0x1;
	s10 =	sld [smem:$0x3FB8]  }
0x3d: {  	_ =	shalt  }
0x3e: {  	_ =	shalt  }
0x3f: {  	_ =	shalt  }
0x40: {  	_ =	shalt  }
0x41: {  	_ =	shalt  }
0x42: {  	_ =	shalt  }
0x43: {  	_ =	shalt  }
0x44: {  	_ =	shalt  }
0x45: {  	_ =	shalt  }
0x46: {  	_ =	shalt  }
0x47: {  	_ =	shalt  }
0x48: {  	_ =	shalt  }
0x49: {  	_ =	shalt  }
0x4a: {  	_ =	shalt  }
0x4b: {  	_ =	shalt  }
0x4c: {  	_ =	shalt  }
0x4d: {  	_ =	shalt  }
0x4e: {  	_ =	shalt  }
0x4f: {  	_ =	shalt  }
0x50: {  	_ =	shalt  }
0x51: {  	_ =	shalt  }
0x52: {  	_ =	shalt  }
0x53: {  	_ =	shalt  }
0x54: {  	_ =	shalt  }
0x55: {  	_ =	shalt  }
0x56: {  	_ =	shalt  }
0x57: {  	_ =	shalt  }
0x58: {  	_ =	shalt  }
0x59: {  	_ =	shalt  }
0x5a: {  	_ =	shalt  }
0x5b: {  	_ =	shalt  }
0x5c: {  	_ =	shalt  }
0x5d: {  	_ =	shalt  }
0x5e: {  	_ =	shalt  }
0x5f: {  	_ =	shalt  }
0x60: {  	_ =	shalt  }
0x61: {  	_ =	shalt  }
0x62: {  	_ =	shalt  }
0x63: {  	_ =	shalt  }
0x64: {  	_ =	shalt  }
0x65: {  	_ =	shalt  }
0x66: {  	_ =	shalt  }
0x67: {  	_ =	shalt  }
0x68: {  	_ =	shalt  }
0x69: {  	_ =	shalt  }
0x6a: {  	_ =	shalt  }
0x6b: {  	_ =	shalt  }
0x6c: {  	_ =	shalt  }
0x6d: {  	_ =	shalt  }
0x6e: {  	_ =	shalt  }
0x6f: {  	_ =	shalt  }
0x70: {  	_ =	shalt  }
0x71: {  	_ =	shalt  }
0x72: {  	_ =	shalt  }
0x73: {  	_ =	shalt  }
0x74: {  	_ =	shalt  }
0x75: {  	_ =	shalt  }
0x76: {  	_ =	shalt  }
0x77: {  	_ =	shalt  }
0x78: {  	_ =	shalt  }
0x79: {  	_ =	shalt  }
0x7a: {  	_ =	shalt  }
0x7b: {  	_ =	shalt  }
0x7c: {  	_ =	shalt  }
0x7d: {  	_ =	shalt  }
0x7e: {  	_ =	shalt  }
0x7f: {  	_ =	shalt  }
0x80: {  	_ =	shalt  }
0x81: {  	_ =	shalt  }
0x82: {  	_ =	shalt  }
0x83: {  	_ =	shalt  }
0x84: {  	_ =	shalt  }
0x85: {  	_ =	shalt  }
0x86: {  	_ =	shalt  }
0x87: {  	_ =	shalt  }
.Lfunc_end0:
.L_simem_size_0:
called_computation_lowered:
.L_overlay_start_0:
0x88: {  	s2 =	sld [smem:$0x3FD9]  }
0x89: {  	s3 =	sld [smem:$0x3FFE];
	_ =	sdelay $0x1  }
0x8a: {  	s1 =	srdreg.scid  }
0x8b: {  	s0 =	sand.u32 $0x1, s1  }
0x8c: {  	s17 =	sshll.u32 s0, $0xA;
	s2 =	sadd.s32 s3, s2  }
0x8d: {  	s2 =	sadd.s32 s2, s17  }
0x8e: {  	[smem:$0x3FC4] =	sst s2  }
0x8f: {  	_ = 	snop  }
0x90: {  	s2 =	sld [smem:$0x3FD0];
	(tm) =	ssettm $0x1  }
0x91: {  	s18 =	sld [smem:$0x3FFB];
	_ =	sdelay $0x3  }
0x92: {  	_ =	strace s18  }
0x93: {  	s3 =	sld [smem:$0x3FFC];
	_ =	sdelay $0x3  }
0x94: {  	_ =	strace s3  }
0x95: {  	s3 =	sld [smem:$0x3FFD];
	_ =	sdelay $0x3  }
0x96: {  	_ =	strace s3  }
0x97: {  	_ =	strace $0x8FFFFFFF  }
0x98: {  	s19 =	sld [smem:$0x3FDB];
	_ =	sdelay $0x1  }
0x99: {  	s4 =	simm.s32 $_scs_section_size  }
0x9a: {  	s5 =	simm.s32 $_size__tile_overlayer_lowered;
	s6 =	simm.s32 $_tile_overlayer_lowered  }
0x9b: {  	s22 =	simm.s32 $0x1BFF;
	s21 =	sshll.u32 s6, $0x1;
	s3 =	sadd.s32 s4, s19  }
0x9c: {  	s7 =	simm.s32 $0x0;
	s20 =	sshll.u32 s5, $0x1;
	s5 =	sadd.s32 s21, s3  }
0x9d: {  	[timem:s7], [sflag:s22] =	dma.local [hbm:s5], s20  }
0x9e: {  	_ =	swait.ge [sflag:s22], s20  }
0x9f: {  	s4 =	ssub.s32 $0x0, s20;
	[sflag:s22] =	ssyncset.done $0x0  }
0xa0: {  	[sflag:s22] =	ssyncadd.s32 s4;
	_ =	sdelay $0x1  }
0xa1: {  	s23 =	simm.s32 $0x1B8B  }
0xa2: {  	_ =	swait.ge [sflag:s23], $0x1  }
0xa3: {  	[sflag:s23] =	ssyncset.done $0x0  }
0xa4: {  	s25 =	simm.s32 $0x1B8E;
	s24 =	sld [smem:$0x3FFE];
	[sflag:s23] =	ssyncadd.s32 $0xFFFFFFFF  }
0xa5: {  	s26 =	simm.s32 $execute0_lowered;
	[smem:$0x3FD2] =	sst s25  }
0xa6: {  	s5 =	sshll.u32 s26, $0x1;
	_ =	strace $0x80000046;
	[dreg:$0x1] =	wrdreg $0xFFFFFFFF  }
0xa7: {  	s28 =	simm.s32 $_size_execute0_lowered;
	s3 =	sadd.s32 s3, s5;
	[dreg:$0x0] =	wrdreg $0x0  }
0xa8: {  	s5 =	sshll.u32 s28, $0x1;
	[dreg:$0x2] =	wrdreg s3  }
0xa9: {  	[dreg:$0x3] =	wrdreg s5  }
0xaa: {  	[dreg:$0x4] =	wrdreg $0xC0  }
0xab: {  	_ =	task [dreg:s7], $0x5FFFF  }
0xac: {  	[dreg:$0x1] =	wrdreg $0xFFFFFFFF  }
0xad: {  	[dreg:$0x0] =	wrdreg $0x60  }
0xae: {  	[dreg:$0x2] =	wrdreg s2  }
0xaf: {  	[dreg:$0x3] =	wrdreg s24  }
0xb0: {  	[dreg:$0x4] =	wrdreg $0x9  }
0xb1: {  	_ =	task.clear_ibuf [dreg:s7], $0x5FFFF;
	_ =	strace $0x90000046  }
0xb2: {  	s29 =	simm.s32 $0x9;
	_ =	strace $0x80000048  }
0xb3: {  	_ =	swait.ge [sflag:s29], $0x1  }
0xb4: {  	[sflag:s29] =	ssyncadd.s32 $0xFFFFFFFF  }
0xb5: {  	_ =	strace $0x90000048  }
0xb6: {  	_ =	sfence  }
0xb7: {  	s30 =	sld [smem:$0x0];
	_ =	sdelay $0x2  }
0xb8: {  	s31 =	sshll.u32 s1, $0xD;
	s1 =	sshrl.u32 s1, $0x2  }
0xb9: {  	s3 =	sand.u32 $0x4000, s31;
	s1 =	sadd.s32 s1, s30  }
0xba: {  	s0 =	sor.u32 s3, s0;
	s1 =	sshll.u32 s1, $0x11  }
0xbb: {  	s0 =	sor.u32 s1, s0  }
0xbc: {  	s0 =	sadd.s32 $0x8F2B, s0  }
0xbd: {  	[sflag:s0] =	ssyncadd.remote.s32 $0x1  }
0xbe: {  	_ =	sfence.sel $0xFFFF  }
0xbf: {  	[dreg:$0x0] =	wrdreg $0xFFFFFFFF;
	(pc) =	sbr.abs _section_cstart, $3  }
0xc0: {  	[dreg:$0x1] =	wrdreg $0xFFFFFFFF  }
0xc1: {  	_ =	task.clear_ibuf [dreg:s7], $0x2FFFF;
	_ =	strace $0x9FFFFFFF  }
0xc2: {  	(tm) =	ssettm $0x7FFFFFFF  }
0xc3: {  	_ =	shalt  }
tec
execute0_lowered:
.L_overlay_start_1:
0x0: {  	(tag) =	ssettag $0x1  }
0x1: {  	s3 =	rddreg [dreg:$0x0];
	s1 =	srdreg.scid  }
0x2: {  	s0 =	stileid.u32;
	s4 =	rddreg [dreg:$0x1];
	s5 =	sand.u32 $0x1, s1  }
0x3: {  	s2 =	sshll.u32 s0, $0x1;
	s7 =	sshrl.u32 s0, $0x2;
	s9 =	smul.u32 $0x5000, s0  }
0x4: {  	s1 =	rddreg [dreg:$0x2];
	s6 =	sor.u32 s5, s2;
	s7 =	smul.u32 $0x14000, s7  }
0x5: {  	s2 =	simm.s32 $0x0;
	s29 =	ssub.s32 $0x2, s5;
	s11 =	smul.u32 $0x2800, s5  }
0x6: {  	s8 =	sshll.u32 s6, $0x7;
	[smem:$0x7FF] =	sst s2;
	s6 =	smul.u32 $0x2800, s6  }
0x7: {  	s10 =	sshrl.u32 s29, $0x1;
	s8 =	sand.u32 $0x380, s8;
	_ =	strace $0x80000047  }
0x8: {  	s30 =	ssub.s32 s29, s10;
	s31 =	sadd.s32 s11, s9;
	s9 =	simm.s32 $0x80  }
0x9: {  	s10 =	simm.s32 $0x400;
	s11 =	simm.s32 $0x0;
	s7 =	sor.u32 s7, s8  }
0xa: {  	s6 =	sshrl.u32 s6, $0x3;
	s5 =	smax.u32 s30, $0x1;
	s7 =	sshrl.u32 s7, $0x3  }
0xb: {  	s8 =	simm.s32 $0x2800;
	s3 =	sadd.s32 s3, s6;
	s4 =	sadd.s32 s7, s4  }
0xc: {  	v0 =	vimm.f32 $0.0e+00;
	vm0 =	vmxor vm0, vm0;
	v1 =	vimm.f32 $1.000000000e+00;
	s6 =	sor.u32 $0x70, s31;
	s7 =	simm.s32 $0x1;
	s4 =	sadd.s32 $0x1E00, s4  }
.LBB2_1:
0xd: {  	[tilespmem:s2], [sflag:$0x1] =	stream.linear.gather [hbm4b:s3+s2], $0x2800, $0x38;
	[tilespmem:$0x5000] =	vst v63  }
0xe: {  	_ =	swait.ge [sflag:s7], $0x2800  }
0xf: {  	[sflag:s7] =	ssyncset.done $0x0  }
0x10: {  	s14 =	simm.s32 $0x2840;
	[sflag:s7] =	ssyncadd.s32 $0xFFFFD800  }
0x11: {  	[tilespmem:s14+$0xFFFFFFC0] =	vst v0  }
0x12: {  	[tilespmem:s14+$0x30] =	vst v0  }
0x13: {  	[tilespmem:s14+$0x20] =	vst v0  }
0x14: {  	[tilespmem:s14+$0x10] =	vst v0  }
0x15: {  	[tilespmem:s14+$0x0] =	vst v0  }
0x16: {  	[tilespmem:s14+$0xFFFFFFF0] =	vst v0  }
0x17: {  	s12 =	simm.s32 $0xFFFFFFF8;
	s15 =	simm.s32 $0x0;
	[tilespmem:s14+$0xFFFFFFE0] =	vst v0  }
.LBB2_2:
0x18: {  	s15 =	sadd.s32 $0x8, s15;
	[tilespmem:s14+$0xFFFFFFD0] =	vst v0;
	s14 =	sadd.s32 $0x80, s14;
	s13 =	simm.s32 $0x40  }
0x19: {  	[tilespmem:s14+$0xFFFFFFC0] =	vst v0;
	p0 =	slt.u32 s15, $0x278  }
0x1a: {  	[tilespmem:s14+$0x30] =	vst v0  }
.Ltmp0:
0x1b: {  	[tilespmem:s14+$0x20] =	vst v0;
	(pc) =	sbr.rel @p0 .LBB2_2-.Ltmp0, $4  }
0x1c: {  	[tilespmem:s14+$0x10] =	vst v0  }
0x1d: {  	[tilespmem:s14+$0x0] =	vst v0  }
0x1e: {  	[tilespmem:s14+$0xFFFFFFF0] =	vst v0  }
0x1f: {  	[tilespmem:s14+$0xFFFFFFE0] =	vst v0  }
0x20: {  	[tilespmem:s14+$0xFFFFFFD0] =	vst v0;
	s14 =	smov.u32 s6  }
.LBB2_4:
0x21: {  	v2 =	vld [tilespmem:s13+$0xFFFFFFC0];
	s15 =	sadd.s32 $0xFFFFFF90, s14  }
0x22: {  	vm1 =	vmmov vm0;
	p0 =	slt.u32 s15, $0x4E200  }
0x23: {  	vm1 =	vmneg @p0 vm1;
	_ =	sdelay $0x5  }
0x24: {  	[tilespmem:v2+s8+$0x0] =	vst.idx.add.f32.msk vm1, v1  }
0x25: {  	s25 =	sadd.s32 $0xFFFFFFA0, s14;
	v2 =	vld [tilespmem:s13+$0xFFFFFFD0]  }
0x26: {  	p0 =	slt.u32 s25, $0x4E200;
	vm1 =	vmmov vm0  }
0x27: {  	vm1 =	vmneg @p0 vm1;
	_ =	sdelay $0x5  }
0x28: {  	[tilespmem:v2+s8+$0x0] =	vst.idx.add.f32.msk vm1, v1  }
0x29: {  	s26 =	sadd.s32 $0xFFFFFFB0, s14;
	v2 =	vld [tilespmem:s13+$0xFFFFFFE0]  }
0x2a: {  	p0 =	slt.u32 s26, $0x4E200;
	vm1 =	vmmov vm0  }
0x2b: {  	vm1 =	vmneg @p0 vm1;
	_ =	sdelay $0x5  }
0x2c: {  	[tilespmem:v2+s8+$0x0] =	vst.idx.add.f32.msk vm1, v1  }
0x2d: {  	s28 =	sadd.s32 $0xFFFFFFC0, s14;
	v2 =	vld [tilespmem:s13+$0xFFFFFFF0]  }
0x2e: {  	p0 =	slt.u32 s28, $0x4E200;
	vm1 =	vmmov vm0  }
0x2f: {  	vm1 =	vmneg @p0 vm1;
	_ =	sdelay $0x5  }
0x30: {  	[tilespmem:v2+s8+$0x0] =	vst.idx.add.f32.msk vm1, v1  }
0x31: {  	s29 =	sadd.s32 $0xFFFFFFD0, s14;
	v2 =	vld [tilespmem:s13+$0x0]  }
0x32: {  	p0 =	slt.u32 s29, $0x4E200;
	vm1 =	vmmov vm0  }
0x33: {  	vm1 =	vmneg @p0 vm1;
	_ =	sdelay $0x5  }
0x34: {  	[tilespmem:v2+s8+$0x0] =	vst.idx.add.f32.msk vm1, v1  }
0x35: {  	s30 =	sadd.s32 $0xFFFFFFE0, s14;
	v2 =	vld [tilespmem:s13+$0x10]  }
0x36: {  	p0 =	slt.u32 s30, $0x4E200;
	vm1 =	vmmov vm0  }
0x37: {  	vm1 =	vmneg @p0 vm1;
	_ =	sdelay $0x5  }
0x38: {  	[tilespmem:v2+s8+$0x0] =	vst.idx.add.f32.msk vm1, v1  }
0x39: {  	s31 =	sadd.s32 $0xFFFFFFF0, s14;
	v2 =	vld [tilespmem:s13+$0x20]  }
0x3a: {  	p0 =	slt.u32 s31, $0x4E200;
	vm1 =	vmmov vm0  }
0x3b: {  	vm1 =	vmneg @p0 vm1;
	_ =	sdelay $0x5  }
0x3c: {  	[tilespmem:v2+s8+$0x0] =	vst.idx.add.f32.msk vm1, v1  }
0x3d: {  	v2 =	vld [tilespmem:s13+$0x30]  }
0x3e: {  	p0 =	slt.u32 s14, $0x4E200;
	vm1 =	vmmov vm0  }
0x3f: {  	s12 =	sadd.s32 $0x8, s12;
	vm1 =	vmneg @p0 vm1  }
0x40: {  	p0 =	slt.u32 s12, $0x278  }
.Ltmp1:
0x41: {  	_ = 	snop;
	(pc) =	sbr.rel @p0 .LBB2_4-.Ltmp1, $2  }
0x42: {  	_ =	sdelay $0x2  }
0x43: {  	s14 =	sadd.s32 $0x80, s14;
	s13 =	sadd.s32 $0x80, s13;
	[tilespmem:v2+s8+$0x0] =	vst.idx.add.f32.msk vm1, v1  }
0x44: {  	s11 =	sadd.s32 $0x1, s11  }
0x45: {  	p0 =	sne.s32 s11, s5  }
.Ltmp2:
0x46: {  	_ = 	snop;
	(pc) =	sbr.rel @p0 .LBB2_1-.Ltmp2, $4  }
0x47: {  	[hbm4b:s4+s9] =	stream.strided.scatter [tilespmem:s8], [sflag:$0x1], $0x2800, s10, s9, $0x38;
	[tilespmem:$0x5000] =	vst v63  }
0x48: {  	_ =	swait.ge [sflag:s7], $0x2800  }
0x49: {  	[sflag:s7] =	ssyncset.done $0x0  }
0x4a: {  	[sflag:s7] =	ssyncadd.s32 $0xFFFFD800  }
0x4b: {  	_ =	sfence.sel $0x180000  }
0x4c: {  	[bflag:$0x0] =	sbarrier.arrive $0xFFFF  }
0x4d: {  	p0 =	sne.s32 s0, $0x0;
	_ =	strace $0x90000047  }
0x4e: {  	s0 =	sadd.s32 @!p0 $0x100000, s1;
	[bflag:$0x2] =	sbarrier.arrive $0xFFFF  }
0x4f: {  	[sflag:s0] =	ssyncadd.tile.s32 @!p0 $0x1;
	_ =	shalt  }
.Lfunc_end2:
_tile_overlayer_lowered:
.L_overlay_start_2:
0x50: {  	(tag) =	ssettag $0x2  }
0x51: {  	s0 =	rddreg [dreg:$0x0];
	s2 =	stileid.u32  }
0x52: {  	s1 =	rddreg [dreg:$0x1];
	p0 =	sne.s32 s2, $0x0  }
0x53: {  	s3 =	rddreg [dreg:$0x2];
	[bflag:$0x3] =	sbarrier.arrive $0xFFFF;
	s2 =	simm.s32 @!p0 $0x1C01  }
0x54: {  	[timem:s3], [sflag:s2] =	dma.local @!p0 [hbm:s0], s1  }
0x55: {  	s0 =	simm.s32 @!p0 $0x1  }
0x56: {  	_ =	swait.ge @!p0 [sflag:s0], s1  }
0x57: {  	s1 =	ssub.s32 @!p0 $0x0, s1;
	[sflag:s0] =	ssyncset.done @!p0 $0x0  }
0x58: {  	[sflag:s0] =	ssyncadd.s32 @!p0 s1  }
0x59: {  	[bflag:$0x3] =	sbarrier.arrive $0xFFFF  }
0x5a: {  	_ =	shalt  }

// kernel: kernel.9.cloned.1.call-start
scs
__scs_entry_jumppad:
0x0: {  	(pc) =	sbr.rel $0x88, $3  }
0x1: {  	(tag) =	ssettag $0x0;
	lr =	simm.s32 $0x1  }
0x2: {  	[smem:$0x3F9D] =	sst lr;
	_ =	strace $0xD0000000  }
0x3: {  	_ = 	snop  }
0x4: {  	_ = 	snop  }
0x5: {  	_ = 	snop  }
0x6: {  	_ = 	snop  }
0x7: {  	_ = 	snop  }
__scs_overlays_trampoline_lowered:
0x8: {  	[smem:$0x3FAC] =	sst s0  }
0x9: {  	[smem:$0x3FAD] =	sst s1  }
0xa: {  	[smem:$0x3FAE] =	sst s2  }
0xb: {  	[smem:$0x3FAF] =	sst s3  }
0xc: {  	[smem:$0x3FB0] =	sst s4  }
0xd: {  	[smem:$0x3FB1] =	sst s5  }
0xe: {  	[smem:$0x3FB2] =	sst s6  }
0xf: {  	[smem:$0x3FB3] =	sst s7  }
0x10: {  	[smem:$0x3FB4] =	sst s8  }
0x11: {  	[smem:$0x3FB5] =	sst s9;
	s0 =	simm.s32 @!p0 $0x0  }
0x12: {  	s1 =	sld [smem:$0x3F9B];
	s0 =	simm.s32 @p0 $0x1  }
0x13: {  	[smem:$0x3FB6] =	sst s0;
	s0 =	simm.s32 @!p1 $0x0  }
0x14: {  	s2 =	sld [smem:$0x3F9A];
	s0 =	simm.s32 @p1 $0x1  }
0x15: {  	[smem:$0x3FB7] =	sst s0;
	s0 =	simm.s32 @!p2 $0x0  }
0x16: {  	s3 =	sld [smem:$0x3FDB];
	s0 =	simm.s32 @p2 $0x1  }
0x17: {  	s4 =	simm.s32 $0x1BF5;
	[smem:$0x3FB9] =	sst s0  }
0x18: {  	s0 =	sld [smem:$0x3F9C];
	_ =	swait.ge [sflag:s4], $0x0  }
0x19: {  	s7 =	sld [smem:$0x3F9D]  }
0x1a: {  	s8 =	sadd.s32 $0xFFFFE003, lr  }
0x1b: {  	s9 =	sadd.s32 $0xFFFFFEF7, lr;
	s5 =	simm.s32 $0xFFFFFFFF;
	p2 =	slt.u32 s8, $0xFFFFF086  }
0x1c: {  	p1 =	slt.u32 s9, $0xF7A;
	s5 =	simm.s32 @!p2 $0x0  }
0x1d: {  	s5 =	simm.s32 @p1 $0x1;
	p0 =	seq.s32 s7, s2  }
0x1e: {  	s7 =	smul.u32 @!p0 $0xF7A, s2;
	p2 =	seq.s32 @!p0 s5, $0x0  }
0x1f: {  	s9 =	smul.u32 $0xF7A, s1;
	s8 =	simm.s32 @!p0 $0x1BF5;
	p2 =	por !p2, p0  }
0x20: {  	[sflag:s8] =	ssyncset.s32 @!p0 $0xFFFFF086;
	s6 =	sadd.s32 @!p0 s3, s7;
	s7 =	simm.s32 @!p0 $0x108  }
0x21: {  	s3 =	sadd.s32 s3, s9;
	s6 =	sadd.s32 @!p0 $0x88, s6;
	s7 =	simm.s32 @p2 $0x1082  }
0x22: {  	[simem:s7], [sflag:s8] =	dma.local @!p0 [hbm:s6], $0xF7A  }
0x23: {  	s9 =	sor.u32 $0xD0000000, s2;
	s6 =	simm.s32 $0x108;
	_ =	swait.ge @!p0 [sflag:s8], $0x0  }
0x24: {  	s3 =	sadd.s32 $0x88, s3;
	s6 =	simm.s32 @!p1 $0x1082;
	[sflag:s4] =	ssyncset.s32 $0xFFFFF086  }
0x25: {  	[simem:s6], [sflag:s4] =	dma.local [hbm:s3], $0xF7A  }
0x26: {  	[smem:$0x3F9D] =	sst s1;
	(tag) =	ssettag s2;
	_ =	strace s9  }
0x27: {  	s1 =	sld [smem:$0x3FAD]  }
0x28: {  	s2 =	sld [smem:$0x3FAE]  }
0x29: {  	s4 =	sld [smem:$0x3FB0]  }
0x2a: {  	p0 =	seq.s32 s5, $0x0;
	s5 =	sld [smem:$0x3FB1]  }
0x2b: {  	s6 =	sld [smem:$0x3FB2]  }
0x2c: {  	s7 =	sld [smem:$0x3FB3]  }
0x2d: {  	s3 =	simm.s32 $0x108;
	s8 =	sld [smem:$0x3FB4]  }
0x2e: {  	s3 =	simm.s32 @!p0 $0x1082;
	s9 =	sld [smem:$0x3FB5]  }
0x2f: {  	lr =	sadd.s32 s0, s3;
	s0 =	sld [smem:$0x3FAC]  }
0x30: {  	s3 =	sld [smem:$0x3FAF]  }
0x31: {  	[smem:$0x3FB8] =	sst s10  }
0x32: {  	s10 =	sld [smem:$0x3FB6];
	_ =	sdelay $0x3  }
0x33: {  	p0 =	seq.s32 s10, $0x1;
	s10 =	sld [smem:$0x3FB8];
	_ =	sdelay $0x3  }
0x34: {  	[smem:$0x3FB8] =	sst s10  }
0x35: {  	s10 =	sld [smem:$0x3FB7];
	_ =	sdelay $0x3  }
0x36: {  	p1 =	seq.s32 s10, $0x1;
	s10 =	sld [smem:$0x3FB8];
	_ =	sdelay $0x3  }
0x37: {  	[smem:$0x3FB8] =	sst s10  }
0x38: {  	s10 =	sld [smem:$0x3FB9]  }
0x39: {  	_ = 	snop;
	(pc) =	sbr.ind lr, $3  }
0x3a: {  	_ = 	snop  }
0x3b: {  	_ = 	snop  }
0x3c: {  	p2 =	seq.s32 s10, $0x1;
	s10 =	sld [smem:$0x3FB8]  }
0x3d: {  	_ =	shalt  }
0x3e: {  	_ =	shalt  }
0x3f: {  	_ =	shalt  }
0x40: {  	_ =	shalt  }
0x41: {  	_ =	shalt  }
0x42: {  	_ =	shalt  }
0x43: {  	_ =	shalt  }
0x44: {  	_ =	shalt  }
0x45: {  	_ =	shalt  }
0x46: {  	_ =	shalt  }
0x47: {  	_ =	shalt  }
0x48: {  	_ =	shalt  }
0x49: {  	_ =	shalt  }
0x4a: {  	_ =	shalt  }
0x4b: {  	_ =	shalt  }
0x4c: {  	_ =	shalt  }
0x4d: {  	_ =	shalt  }
0x4e: {  	_ =	shalt  }
0x4f: {  	_ =	shalt  }
0x50: {  	_ =	shalt  }
0x51: {  	_ =	shalt  }
0x52: {  	_ =	shalt  }
0x53: {  	_ =	shalt  }
0x54: {  	_ =	shalt  }
0x55: {  	_ =	shalt  }
0x56: {  	_ =	shalt  }
0x57: {  	_ =	shalt  }
0x58: {  	_ =	shalt  }
0x59: {  	_ =	shalt  }
0x5a: {  	_ =	shalt  }
0x5b: {  	_ =	shalt  }
0x5c: {  	_ =	shalt  }
0x5d: {  	_ =	shalt  }
0x5e: {  	_ =	shalt  }
0x5f: {  	_ =	shalt  }
0x60: {  	_ =	shalt  }
0x61: {  	_ =	shalt  }
0x62: {  	_ =	shalt  }
0x63: {  	_ =	shalt  }
0x64: {  	_ =	shalt  }
0x65: {  	_ =	shalt  }
0x66: {  	_ =	shalt  }
0x67: {  	_ =	shalt  }
0x68: {  	_ =	shalt  }
0x69: {  	_ =	shalt  }
0x6a: {  	_ =	shalt  }
0x6b: {  	_ =	shalt  }
0x6c: {  	_ =	shalt  }
0x6d: {  	_ =	shalt  }
0x6e: {  	_ =	shalt  }
0x6f: {  	_ =	shalt  }
0x70: {  	_ =	shalt  }
0x71: {  	_ =	shalt  }
0x72: {  	_ =	shalt  }
0x73: {  	_ =	shalt  }
0x74: {  	_ =	shalt  }
0x75: {  	_ =	shalt  }
0x76: {  	_ =	shalt  }
0x77: {  	_ =	shalt  }
0x78: {  	_ =	shalt  }
0x79: {  	_ =	shalt  }
0x7a: {  	_ =	shalt  }
0x7b: {  	_ =	shalt  }
0x7c: {  	_ =	shalt  }
0x7d: {  	_ =	shalt  }
0x7e: {  	_ =	shalt  }
0x7f: {  	_ =	shalt  }
0x80: {  	_ =	shalt  }
0x81: {  	_ =	shalt  }
0x82: {  	_ =	shalt  }
0x83: {  	_ =	shalt  }
0x84: {  	_ =	shalt  }
0x85: {  	_ =	shalt  }
0x86: {  	_ =	shalt  }
0x87: {  	_ =	shalt  }
.Lfunc_end0:
.L_simem_size_0:
called_computation.1_lowered:
.L_overlay_start_0:
0x88: {  	s2 =	sld [smem:$0x3FD9]  }
0x89: {  	s3 =	sld [smem:$0x3FFE];
	_ =	sdelay $0x1  }
0x8a: {  	s1 =	srdreg.scid  }
0x8b: {  	s0 =	sand.u32 $0x1, s1  }
0x8c: {  	s17 =	sshll.u32 s0, $0xA;
	s2 =	sadd.s32 s3, s2  }
0x8d: {  	s2 =	sadd.s32 s2, s17  }
0x8e: {  	[smem:$0x3FC4] =	sst s2  }
0x8f: {  	_ = 	snop  }
0x90: {  	s2 =	sld [smem:$0x3FD0];
	(tm) =	ssettm $0x1  }
0x91: {  	s18 =	sld [smem:$0x3FFB];
	_ =	sdelay $0x3  }
0x92: {  	_ =	strace s18  }
0x93: {  	s3 =	sld [smem:$0x3FFC];
	_ =	sdelay $0x3  }
0x94: {  	_ =	strace s3  }
0x95: {  	s3 =	sld [smem:$0x3FFD];
	_ =	sdelay $0x3  }
0x96: {  	_ =	strace s3  }
0x97: {  	_ =	strace $0x8FFFFFFF  }
0x98: {  	s19 =	sld [smem:$0x3FDB];
	_ =	sdelay $0x1  }
0x99: {  	s4 =	simm.s32 $_scs_section_size  }
0x9a: {  	s5 =	simm.s32 $_size__tile_overlayer_lowered;
	s6 =	simm.s32 $_tile_overlayer_lowered  }
0x9b: {  	s22 =	simm.s32 $0x1BFF;
	s21 =	sshll.u32 s6, $0x1;
	s3 =	sadd.s32 s4, s19  }
0x9c: {  	s7 =	simm.s32 $0x0;
	s20 =	sshll.u32 s5, $0x1;
	s5 =	sadd.s32 s21, s3  }
0x9d: {  	[timem:s7], [sflag:s22] =	dma.local [hbm:s5], s20  }
0x9e: {  	_ =	swait.ge [sflag:s22], s20  }
0x9f: {  	s4 =	ssub.s32 $0x0, s20;
	[sflag:s22] =	ssyncset.done $0x0  }
0xa0: {  	[sflag:s22] =	ssyncadd.s32 s4;
	_ =	sdelay $0x1  }
0xa1: {  	s23 =	simm.s32 $0x1B8B  }
0xa2: {  	_ =	swait.ge [sflag:s23], $0x1  }
0xa3: {  	[sflag:s23] =	ssyncset.done $0x0  }
0xa4: {  	s25 =	simm.s32 $0x1B8E;
	s24 =	sld [smem:$0x3FFE];
	[sflag:s23] =	ssyncadd.s32 $0xFFFFFFFF  }
0xa5: {  	s26 =	simm.s32 $execute0_lowered;
	[smem:$0x3FD2] =	sst s25  }
0xa6: {  	s5 =	sshll.u32 s26, $0x1;
	_ =	strace $0x80000049;
	[dreg:$0x1] =	wrdreg $0xFFFFFFFF  }
0xa7: {  	s28 =	simm.s32 $_size_execute0_lowered;
	s3 =	sadd.s32 s3, s5;
	[dreg:$0x0] =	wrdreg $0x0  }
0xa8: {  	s5 =	sshll.u32 s28, $0x1;
	[dreg:$0x2] =	wrdreg s3  }
0xa9: {  	[dreg:$0x3] =	wrdreg s5  }
0xaa: {  	[dreg:$0x4] =	wrdreg $0xC0  }
0xab: {  	_ =	task [dreg:s7], $0x5FFFF  }
0xac: {  	[dreg:$0x1] =	wrdreg $0xFFFFFFFF  }
0xad: {  	[dreg:$0x0] =	wrdreg $0x60  }
0xae: {  	[dreg:$0x2] =	wrdreg s24  }
0xaf: {  	[dreg:$0x3] =	wrdreg s2  }
0xb0: {  	[dreg:$0x4] =	wrdreg $0xA8000  }
0xb1: {  	[dreg:$0x5] =	wrdreg $0x9  }
0xb2: {  	_ =	task.clear_ibuf [dreg:s7], $0x6FFFF;
	_ =	strace $0x90000049  }
0xb3: {  	s29 =	simm.s32 $0x9;
	_ =	strace $0x8000004B  }
0xb4: {  	_ =	swait.ge [sflag:s29], $0x1  }
0xb5: {  	[sflag:s29] =	ssyncadd.s32 $0xFFFFFFFF  }
0xb6: {  	_ =	strace $0x9000004B  }
0xb7: {  	_ =	sfence  }
0xb8: {  	s30 =	sld [smem:$0x0];
	_ =	sdelay $0x2  }
0xb9: {  	s31 =	sshll.u32 s1, $0xD;
	s1 =	sshrl.u32 s1, $0x2  }
0xba: {  	s3 =	sand.u32 $0x4000, s31;
	s1 =	sadd.s32 s1, s30  }
0xbb: {  	s0 =	sor.u32 s3, s0;
	s1 =	sshll.u32 s1, $0x11  }
0xbc: {  	s0 =	sor.u32 s1, s0  }
0xbd: {  	s0 =	sadd.s32 $0x8F2B, s0  }
0xbe: {  	[sflag:s0] =	ssyncadd.remote.s32 $0x1  }
0xbf: {  	_ =	sfence.sel $0xFFFF  }
0xc0: {  	[dreg:$0x0] =	wrdreg $0xFFFFFFFF;
	(pc) =	sbr.abs _section_cstart, $3  }
0xc1: {  	[dreg:$0x1] =	wrdreg $0xFFFFFFFF  }
0xc2: {  	_ =	task.clear_ibuf [dreg:s7], $0x2FFFF;
	_ =	strace $0x9FFFFFFF  }
0xc3: {  	(tm) =	ssettm $0x7FFFFFFF  }
tec
execute0_lowered:
.L_overlay_start_1:
0x0: {  	(tag) =	ssettag $0x1  }
0x1: {  	s5 =	rddreg [dreg:$0x0]  }
0x2: {  	s7 =	rddreg [dreg:$0x1]  }
0x3: {  	s2 =	rddreg [dreg:$0x2]  }
0x4: {  	s0 =	rddreg [dreg:$0x3];
	s1 =	stileid.u32  }
0x5: {  	s4 =	srdreg.scid;
	s3 =	simm.s32 $0x0;
	s16 =	simm.s32 $0x80  }
0x6: {  	s17 =	simm.s32 $0x2800;
	s18 =	simm.s32 $0x6800;
	s19 =	simm.s32 $0x3  }
0x7: {  	s20 =	simm.s32 $0x1;
	s21 =	simm.s32 $0x2;
	s22 =	simm.s32 $0x2700  }
0x8: {  	s23 =	simm.s32 $0x2780;
	s25 =	simm.s32 $0x0;
	s6 =	smul.u32 $0x14000, s1  }
0x9: {  	s8 =	sand.u32 $0x1, s4;
	[smem:$0x7FF] =	sst s3;
	s4 =	sadd.s32 $0x1E00, s5  }
0xa: {  	s29 =	sshll.u32 s1, $0x1;
	s12 =	smul.u32 $0x50000, s1;
	s24 =	sshll.u32 s1, $0x6  }
0xb: {  	s9 =	smul.u32 $0x140000, s8;
	_ =	strace $0x8000004A;
	s11 =	ssub.s32 $0x2, s8  }
0xc: {  	s8 =	sor.u32 s8, s29;
	s10 =	sshrl.u32 s6, $0x3;
	s30 =	sshrl.u32 s11, $0x1  }
0xd: {  	s8 =	smul.u32 $0x2800, s8;
	s31 =	sshrl.u32 s12, $0x2;
	s10 =	sadd.s32 s10, s5  }
0xe: {  	s6 =	sadd.s32 s6, s9;
	s14 =	ssub.s32 s11, s30;
	s15 =	sadd.s32 s31, s2  }
0xf: {  	s6 =	sshrl.u32 s6, $0x3;
	s8 =	sshrl.u32 s8, $0x3;
	s12 =	smax.u32 s14, $0x1  }
0x10: {  	s14 =	simm.s32 $0x4;
	s13 =	sadd.s32 s6, s5;
	s5 =	sadd.s32 $0x29E00, s10  }
0x11: {  	s6 =	sor.u32 $0x1C03, s24;
	s7 =	sadd.s32 s7, s8;
	s24 =	sor.u32 $0x1C04, s24  }
0x12: {  	s8 =	sadd.s32 $0xA000, s7;
	s9 =	sadd.s32 $0xA280, s7;
	s10 =	sadd.s32 $0x280, s7  }
0x13: {  	s11 =	sadd.s32 $0x51E00, s13;
	s13 =	sshrl.u32 s15, $0x3;
	s15 =	simm.s32 $0x1400  }
.LBB2_1:
0x14: {  	[spmem:s13], [sflag:s6] =	dma.local [hbm:s5], $0x2800  }
0x15: {  	[tilespmem:s3], [sflag:$0x4] =	stream.linear.gather [hbm4b:s8+s3], $0x1400, $0x38;
	[tilespmem:$0x1E800] =	vst v63  }
0x16: {  	_ =	swait.ge [sflag:s14], $0x1400  }
0x17: {  	[sflag:s14] =	ssyncset.done $0x0  }
0x18: {  	[sflag:s14] =	ssyncadd.s32 $0xFFFFEC00  }
0x19: {  	[tilespmem:s15], [sflag:$0x4] =	stream.linear.gather [hbm4b:s7+s3], $0x1400, $0x38;
	[tilespmem:$0x1E800] =	vst v63  }
0x1a: {  	_ =	swait.ge [sflag:s14], $0x1400  }
0x1b: {  	[sflag:s14] =	ssyncset.done $0x0  }
0x1c: {  	[sflag:s14] =	ssyncadd.s32 $0xFFFFEC00  }
0x1d: {  	[tilespmem:s17], [sflag:$0x1] =	stream.indirect.gather [hbm4b:s4+s16], $0x80, s3, s16, $0xb8;
	[tilespmem:$0x1E800] =	vst v63  }
0x1e: {  	_ = 	snop  }
0x1f: {  	[tilespmem:s18], [sflag:$0x2] =	stream.indirect.gather [hbm4b:s4+s16], $0x80, s16, s16, $0xb8;
	[tilespmem:$0x1E800] =	vst v63  }
0x20: {  	_ =	swait.ge [sflag:s19], $0x2800  }
0x21: {  	[sflag:s19] =	ssyncset.done $0x0  }
0x22: {  	[sflag:s19] =	ssyncadd.s32 $0xFFFFD800  }
0x23: {  	[bflag:$0x0] =	sbarrier.arrive $0xFFFF  }
0x24: {  	_ =	swait.ge [sflag:s20], $0x4000  }
0x25: {  	[sflag:s20] =	ssyncset.done $0x0  }
0x26: {  	s26 =	simm.s32 $0x1400;
	[sflag:s20] =	ssyncadd.s32 $0xFFFFC000  }
0x27: {  	[spmem:s2] =	stream.indirect.scatter.add.f32 [tilespmem:s17], [sflag:$0x4], $0x80, s26, s16, $0xb8;
	[tilespmem:$0x1E800] =	vst v63  }
0x28: {  	_ =	swait.ge [sflag:s14], $0x4000  }
0x29: {  	[sflag:s14] =	ssyncset.done $0x0  }
0x2a: {  	s30 =	simm.s32 $0x100;
	[sflag:s14] =	ssyncadd.s32 $0xFFFFC000  }
0x2b: {  	[tilespmem:s17], [sflag:$0x1] =	stream.indirect.gather [hbm4b:s4+s16], $0x80, s30, s16, $0xb8;
	[tilespmem:$0x1E800] =	vst v63  }
0x2c: {  	_ =	swait.ge [sflag:s21], $0x4000  }
0x2d: {  	[sflag:s21] =	ssyncset.done $0x0  }
0x2e: {  	s31 =	simm.s32 $0x1480;
	[sflag:s21] =	ssyncadd.s32 $0xFFFFC000  }
0x2f: {  	[spmem:s2] =	stream.indirect.scatter.add.f32 [tilespmem:s18], [sflag:$0x4], $0x80, s31, s16, $0xb8;
	[tilespmem:$0x1E800] =	vst v63  }
0x30: {  	_ =	swait.ge [sflag:s14], $0x4000  }
0x31: {  	[sflag:s14] =	ssyncset.done $0x0  }
0x32: {  	s28 =	simm.s32 $0x180;
	s26 =	simm.s32 $0x400;
	[sflag:s14] =	ssyncadd.s32 $0xFFFFC000  }
.LBB2_2:
0x33: {  	[tilespmem:s18], [sflag:$0x2] =	stream.indirect.gather [hbm4b:s4+s16], $0x80, s28, s16, $0xb8;
	[tilespmem:$0x1E800] =	vst v63  }
0x34: {  	s28 =	smov.u32 s26  }
0x35: {  	p0 =	sne.s32 s26, $0x4800;
	s26 =	sadd.s32 $0x400, s26;
	_ =	swait.ge [sflag:s20], $0x4000  }
0x36: {  	s28 =	sshra.s32 s28, $0x2;
	[sflag:s20] =	ssyncset.done $0x0  }
0x37: {  	s29 =	sadd.s32 $0x1400, s28;
	[sflag:s20] =	ssyncadd.s32 $0xFFFFC000  }
0x38: {  	[spmem:s2] =	stream.indirect.scatter.add.f32 [tilespmem:s17], [sflag:$0x4], $0x80, s29, s16, $0xb8;
	[tilespmem:$0x1E800] =	vst v63  }
0x39: {  	_ =	swait.ge [sflag:s14], $0x4000  }
0x3a: {  	[sflag:s14] =	ssyncset.done $0x0  }
0x3b: {  	s29 =	sadd.s32 $0x100, s28;
	[sflag:s14] =	ssyncadd.s32 $0xFFFFC000  }
0x3c: {  	[tilespmem:s17], [sflag:$0x1] =	stream.indirect.gather [hbm4b:s4+s16], $0x80, s29, s16, $0xb8;
	[tilespmem:$0x1E800] =	vst v63  }
0x3d: {  	_ =	swait.ge [sflag:s21], $0x4000  }
0x3e: {  	[sflag:s21] =	ssyncset.done $0x0  }
.Ltmp0:
0x3f: {  	s29 =	sadd.s32 $0x1480, s28;
	[sflag:s21] =	ssyncadd.s32 $0xFFFFC000;
	(pc) =	sbr.rel @p0 .LBB2_2-.Ltmp0, $4  }
0x40: {  	[spmem:s2] =	stream.indirect.scatter.add.f32 [tilespmem:s18], [sflag:$0x4], $0x80, s29, s16, $0xb8;
	[tilespmem:$0x1E800] =	vst v63  }
0x41: {  	_ =	swait.ge [sflag:s14], $0x4000  }
0x42: {  	[sflag:s14] =	ssyncset.done $0x0  }
0x43: {  	s28 =	sadd.s32 $0x180, s28;
	[sflag:s14] =	ssyncadd.s32 $0xFFFFC000  }
0x44: {  	[tilespmem:s18], [sflag:$0x2] =	stream.indirect.gather [hbm4b:s4+s16], $0x80, s28, s16, $0xb8;
	[tilespmem:$0x1E800] =	vst v63  }
0x45: {  	_ =	swait.ge [sflag:s20], $0x4000  }
0x46: {  	[sflag:s20] =	ssyncset.done $0x0  }
0x47: {  	[sflag:s20] =	ssyncadd.s32 $0xFFFFC000  }
0x48: {  	[spmem:s2] =	stream.indirect.scatter.add.f32 [tilespmem:s17], [sflag:$0x4], $0x80, s22, s16, $0xb8;
	[tilespmem:$0x1E800] =	vst v63  }
0x49: {  	_ =	swait.ge [sflag:s14], $0x4000  }
0x4a: {  	[sflag:s14] =	ssyncset.done $0x0  }
0x4b: {  	[sflag:s14] =	ssyncadd.s32 $0xFFFFC000  }
0x4c: {  	_ =	swait.ge [sflag:s21], $0x4000  }
0x4d: {  	[sflag:s21] =	ssyncset.done $0x0  }
0x4e: {  	[sflag:s21] =	ssyncadd.s32 $0xFFFFC000  }
0x4f: {  	[spmem:s2] =	stream.indirect.scatter.add.f32 [tilespmem:s18], [sflag:$0x4], $0x80, s23, s16, $0xb8;
	[tilespmem:$0x1E800] =	vst v63  }
0x50: {  	_ =	swait.ge [sflag:s14], $0x4000  }
0x51: {  	[sflag:s14] =	ssyncset.done $0x0  }
0x52: {  	s26 =	simm.s32 $0x0;
	[sflag:s14] =	ssyncadd.s32 $0xFFFFC000  }
0x53: {  	[tilespmem:s26], [sflag:$0x4] =	stream.linear.gather [hbm4b:s9+s26], $0x1400, $0x38;
	[tilespmem:$0x1E800] =	vst v63  }
0x54: {  	_ =	swait.ge [sflag:s14], $0x1400  }
0x55: {  	[sflag:s14] =	ssyncset.done $0x0  }
0x56: {  	[sflag:s14] =	ssyncadd.s32 $0xFFFFEC00  }
0x57: {  	[tilespmem:s15], [sflag:$0x4] =	stream.linear.gather [hbm4b:s10+s26], $0x1400, $0x38;
	[tilespmem:$0x1E800] =	vst v63  }
0x58: {  	_ =	swait.ge [sflag:s14], $0x1400  }
0x59: {  	[sflag:s14] =	ssyncset.done $0x0  }
0x5a: {  	[sflag:s14] =	ssyncadd.s32 $0xFFFFEC00  }
0x5b: {  	[tilespmem:s17], [sflag:$0x1] =	stream.indirect.gather [hbm4b:s4+s16], $0x80, s26, s16, $0xb8;
	[tilespmem:$0x1E800] =	vst v63  }
0x5c: {  	_ = 	snop  }
0x5d: {  	[tilespmem:s18], [sflag:$0x2] =	stream.indirect.gather [hbm4b:s4+s16], $0x80, s16, s16, $0xb8;
	[tilespmem:$0x1E800] =	vst v63  }
0x5e: {  	_ =	swait.ge [sflag:s20], $0x4000  }
0x5f: {  	[sflag:s20] =	ssyncset.done $0x0  }
0x60: {  	s29 =	simm.s32 $0x1400;
	[sflag:s20] =	ssyncadd.s32 $0xFFFFC000  }
0x61: {  	[spmem:s2] =	stream.indirect.scatter.add.f32 [tilespmem:s17], [sflag:$0x4], $0x80, s29, s16, $0xb8;
	[tilespmem:$0x1E800] =	vst v63  }
0x62: {  	_ =	swait.ge [sflag:s14], $0x4000  }
0x63: {  	[sflag:s14] =	ssyncset.done $0x0  }
0x64: {  	s30 =	simm.s32 $0x100;
	[sflag:s14] =	ssyncadd.s32 $0xFFFFC000  }
0x65: {  	[tilespmem:s17], [sflag:$0x1] =	stream.indirect.gather [hbm4b:s4+s16], $0x80, s30, s16, $0xb8;
	[tilespmem:$0x1E800] =	vst v63  }
0x66: {  	_ =	swait.ge [sflag:s21], $0x4000  }
0x67: {  	[sflag:s21] =	ssyncset.done $0x0  }
0x68: {  	s31 =	simm.s32 $0x1480;
	[sflag:s21] =	ssyncadd.s32 $0xFFFFC000  }
0x69: {  	[spmem:s2] =	stream.indirect.scatter.add.f32 [tilespmem:s18], [sflag:$0x4], $0x80, s31, s16, $0xb8;
	[tilespmem:$0x1E800] =	vst v63  }
0x6a: {  	_ =	swait.ge [sflag:s14], $0x4000  }
0x6b: {  	[sflag:s14] =	ssyncset.done $0x0  }
0x6c: {  	s28 =	simm.s32 $0x180;
	s26 =	simm.s32 $0x400;
	[sflag:s14] =	ssyncadd.s32 $0xFFFFC000  }
.LBB2_4:
0x6d: {  	[tilespmem:s18], [sflag:$0x2] =	stream.indirect.gather [hbm4b:s4+s16], $0x80, s28, s16, $0xb8;
	[tilespmem:$0x1E800] =	vst v63  }
0x6e: {  	s28 =	smov.u32 s26  }
0x6f: {  	p0 =	sne.s32 s26, $0x4800;
	s26 =	sadd.s32 $0x400, s26;
	_ =	swait.ge [sflag:s20], $0x4000  }
0x70: {  	s28 =	sshra.s32 s28, $0x2;
	[sflag:s20] =	ssyncset.done $0x0  }
0x71: {  	s29 =	sadd.s32 $0x1400, s28;
	[sflag:s20] =	ssyncadd.s32 $0xFFFFC000  }
0x72: {  	[spmem:s2] =	stream.indirect.scatter.add.f32 [tilespmem:s17], [sflag:$0x4], $0x80, s29, s16, $0xb8;
	[tilespmem:$0x1E800] =	vst v63  }
0x73: {  	_ =	swait.ge [sflag:s14], $0x4000  }
0x74: {  	[sflag:s14] =	ssyncset.done $0x0  }
0x75: {  	s29 =	sadd.s32 $0x100, s28;
	[sflag:s14] =	ssyncadd.s32 $0xFFFFC000  }
0x76: {  	[tilespmem:s17], [sflag:$0x1] =	stream.indirect.gather [hbm4b:s4+s16], $0x80, s29, s16, $0xb8;
	[tilespmem:$0x1E800] =	vst v63  }
0x77: {  	_ =	swait.ge [sflag:s21], $0x4000  }
0x78: {  	[sflag:s21] =	ssyncset.done $0x0  }
.Ltmp1:
0x79: {  	s29 =	sadd.s32 $0x1480, s28;
	[sflag:s21] =	ssyncadd.s32 $0xFFFFC000;
	(pc) =	sbr.rel @p0 .LBB2_4-.Ltmp1, $4  }
0x7a: {  	[spmem:s2] =	stream.indirect.scatter.add.f32 [tilespmem:s18], [sflag:$0x4], $0x80, s29, s16, $0xb8;
	[tilespmem:$0x1E800] =	vst v63  }
0x7b: {  	_ =	swait.ge [sflag:s14], $0x4000  }
0x7c: {  	[sflag:s14] =	ssyncset.done $0x0  }
0x7d: {  	s28 =	sadd.s32 $0x180, s28;
	[sflag:s14] =	ssyncadd.s32 $0xFFFFC000  }
0x7e: {  	[tilespmem:s18], [sflag:$0x2] =	stream.indirect.gather [hbm4b:s4+s16], $0x80, s28, s16, $0xb8;
	[tilespmem:$0x1E800] =	vst v63  }
0x7f: {  	_ =	swait.ge [sflag:s20], $0x4000  }
0x80: {  	[sflag:s20] =	ssyncset.done $0x0  }
0x81: {  	[sflag:s20] =	ssyncadd.s32 $0xFFFFC000  }
0x82: {  	[spmem:s2] =	stream.indirect.scatter.add.f32 [tilespmem:s17], [sflag:$0x4], $0x80, s22, s16, $0xb8;
	[tilespmem:$0x1E800] =	vst v63  }
0x83: {  	_ =	swait.ge [sflag:s14], $0x4000  }
0x84: {  	[sflag:s14] =	ssyncset.done $0x0  }
0x85: {  	[sflag:s14] =	ssyncadd.s32 $0xFFFFC000  }
0x86: {  	_ =	swait.ge [sflag:s21], $0x4000  }
0x87: {  	[sflag:s21] =	ssyncset.done $0x0  }
0x88: {  	[sflag:s21] =	ssyncadd.s32 $0xFFFFC000  }
0x89: {  	[spmem:s2] =	stream.indirect.scatter.add.f32 [tilespmem:s18], [sflag:$0x4], $0x80, s23, s16, $0xb8;
	[tilespmem:$0x1E800] =	vst v63  }
0x8a: {  	_ =	swait.ge [sflag:s14], $0x4000  }
0x8b: {  	s25 =	sadd.s32 $0x1, s25;
	[sflag:s14] =	ssyncset.done $0x0  }
0x8c: {  	p0 =	sne.s32 s25, s12;
	[sflag:s14] =	ssyncadd.s32 $0xFFFFC000  }
.Ltmp2:
0x8d: {  	[bflag:$0x0] =	sbarrier.arrive $0xFFFF;
	(pc) =	sbr.rel @p0 .LBB2_1-.Ltmp2, $4  }
0x8e: {  	[hbm:s11], [sflag:s24] =	dma.local [spmem:s13], $0x2800  }
0x8f: {  	_ =	swait.ge [sflag:s14], $0x2800  }
0x90: {  	[sflag:s14] =	ssyncset.done $0x0  }
0x91: {  	[sflag:s14] =	ssyncadd.s32 $0xFFFFD800  }
0x92: {  	_ =	sfence.sel $0x180000  }
0x93: {  	[bflag:$0x0] =	sbarrier.arrive $0xFFFF  }
0x94: {  	p0 =	sne.s32 s1, $0x0;
	_ =	strace $0x9000004A  }
0x95: {  	s0 =	sadd.s32 @!p0 $0x100000, s0;
	[bflag:$0x2] =	sbarrier.arrive $0xFFFF  }
0x96: {  	[sflag:s0] =	ssyncadd.tile.s32 @!p0 $0x1;
	_ =	shalt  }
.Lfunc_end2:
_tile_overlayer_lowered:
.L_overlay_start_2:
0x97: {  	(tag) =	ssettag $0x2  }
0x98: {  	s0 =	rddreg [dreg:$0x0];
	s2 =	stileid.u32  }
0x99: {  	s1 =	rddreg [dreg:$0x1];
	p0 =	sne.s32 s2, $0x0  }
0x9a: {  	s3 =	rddreg [dreg:$0x2];
	[bflag:$0x3] =	sbarrier.arrive $0xFFFF;
	s2 =	simm.s32 @!p0 $0x1C04  }
0x9b: {  	[timem:s3], [sflag:s2] =	dma.local @!p0 [hbm:s0], s1  }
0x9c: {  	s0 =	simm.s32 @!p0 $0x4  }
0x9d: {  	_ =	swait.ge @!p0 [sflag:s0], s1  }
0x9e: {  	s1 =	ssub.s32 @!p0 $0x0, s1;
	[sflag:s0] =	ssyncset.done @!p0 $0x0  }
0x9f: {  	[sflag:s0] =	ssyncadd.s32 @!p0 s1  }
0xa0: {  	[bflag:$0x3] =	sbarrier.arrive $0xFFFF  }
0xa1: {  	_ =	shalt  }

</sc_bundles>
